<compile_context>
chip_gen: v7x
topology: tpu7x:2x2x1
jax: 0.10.2.dev20260603
libtpu: 0.0.44.dev20260713+nightly
codegen_flags: <defaults>
</compile_context>

<pallas_src>
import functools

import jax
import jax.numpy as jnp
import numpy as np
from jax import lax
from jax.experimental import pallas as pl
from jax.experimental.pallas import tpu as pltpu
from jax.experimental.pallas import tpu_sc as plsc

N = 100000
D = 128
L = 16
NC = 2
NS = 16
NW = NC * NS
RPT = 3200
NPAD = NW * RPT
CB = 128
NCHUNK = RPT // CB
MB = 800
NMM = N // MB
LASTBASE = N - RPT
NZG = (NPAD - N) // L

def _mm_body(x_ref, w1_ref, w2_ref, b_ref, y1_ref, y2_ref):
    pid = pl.program_id(0)

    @pl.when(pid < NMM)
    def _():
        xb = x_ref[...].astype(jnp.bfloat16)
        dn = (((1,), (1,)), ((), ()))
        y1_ref[...] = lax.dot_general(
            xb, w1_ref[...], dn,
            preferred_element_type=jnp.float32) + b_ref[...]
        y2_ref[...] = lax.dot_general(
            xb, w2_ref[...], dn, preferred_element_type=jnp.float32)

    @pl.when(pid >= NMM)
    def _():
        y1_ref[...] = jnp.zeros((MB, D), jnp.float32)
        y2_ref[...] = jnp.zeros((MB, D), jnp.float32)


_matmul = pl.pallas_call(
    _mm_body,
    grid=(NPAD // MB,),
    in_specs=[
        pl.BlockSpec((MB, D), lambda i: (jnp.minimum(i, NMM - 1), 0)),
        pl.BlockSpec((D, D), lambda i: (0, 0)),
        pl.BlockSpec((D, D), lambda i: (0, 0)),
        pl.BlockSpec((1, D), lambda i: (0, 0)),
    ],
    out_specs=[
        pl.BlockSpec((MB, D), lambda i: (i, 0)),
        pl.BlockSpec((MB, D), lambda i: (i, 0)),
    ],
    out_shape=[
        jax.ShapeDtypeStruct((NPAD, D), jnp.float32),
        jax.ShapeDtypeStruct((NPAD, D), jnp.float32),
    ],
)

_sc_mesh = plsc.VectorSubcoreMesh(core_axis_name="c", subcore_axis_name="s")


@functools.partial(
    pl.kernel,
    out_type=jax.ShapeDtypeStruct((N, D), jnp.float32),
    mesh=_sc_mesh,
    scratch_types=[
        pltpu.VMEM((NCHUNK, CB), jnp.int32),
        pltpu.VMEM((NCHUNK, CB), jnp.int32),
        pltpu.VMEM((NCHUNK, CB), jnp.int32),
        pltpu.VMEM((CB, D), jnp.float32),
        pltpu.VMEM((CB, D), jnp.float32),
        pltpu.VMEM((CB, D), jnp.float32),
        pltpu.VMEM((CB, D), jnp.float32),
        pltpu.VMEM((CB, D), jnp.float32),
        pltpu.VMEM((CB, D), jnp.float32),
        pltpu.SemaphoreType.DMA,
        pltpu.SemaphoreType.DMA,
        pltpu.SemaphoreType.DMA,
        pltpu.SemaphoreType.DMA,
    ],
)
def _sc_gather_add(y1_hbm, y2_hbm, nidx_hbm, tidx_hbm, mask_hbm, out_hbm,
                   nidx_v, tidx_v, mask_v, b1a, b1b, b2a, b2b, boa, bob,
                   sga, sgb, swa, swb):
    wid = lax.axis_index("s") * NC + lax.axis_index("c")
    base = jnp.minimum(wid * RPT, LASTBASE)
    buf1 = (b1a, b1b)
    buf2 = (b2a, b2b)
    bufo = (boa, bob)
    semg = (sga, sgb)
    semw = (swa, swb)

    pltpu.sync_copy(nidx_hbm.at[wid], nidx_v)
    pltpu.sync_copy(tidx_hbm.at[wid], tidx_v)
    pltpu.sync_copy(mask_hbm.at[wid], mask_v)

    iota = lax.iota(jnp.int32, L)

    @pl.loop(0, NCHUNK)
    def _fix(c):
        for g in range(CB // L):
            sl = pl.ds(g * L, L)
            t = tidx_v[c, sl]
            m = mask_v[c, sl]
            zrow = N + ((c * (CB // L) + g) % NZG) * L
            tidx_v[c, sl] = jnp.where(m != 0, t, zrow + iota)

    def fire_gathers(b, c):
        pltpu.async_copy(y1_hbm.at[nidx_v.at[c]], buf1[b], semg[b])
        pltpu.async_copy(y2_hbm.at[tidx_v.at[c]], buf2[b], semg[b])

    def drain_gathers(b):
        pltpu.make_async_copy(y1_hbm.at[pl.ds(0, CB)], buf1[b], semg[b]).wait()
        pltpu.make_async_copy(y1_hbm.at[pl.ds(0, CB)], buf2[b], semg[b]).wait()

    def drain_writeback(b):
        pltpu.make_async_copy(
            bufo[b], out_hbm.at[pl.ds(0, CB)], semw[b]).wait()

    for b in range(2):
        fire_gathers(b, b)

    @pl.loop(0, NCHUNK, step=2)
    def _outer(g):
        for b in range(2):
            c = g + b

            @pl.when(c < NCHUNK)
            def _():
                drain_gathers(b)

                @pl.when(g > 0)
                def _():
                    drain_writeback(b)

                @plsc.parallel_loop(0, CB, unroll=2)
                def _row(r):
                    for grp in range(D // L):
                        sl = pl.ds(grp * L, L)
                        bufo[b][r, sl] = jnp.maximum(
                            buf1[b][r, sl] + buf2[b][r, sl], 0.0)

                pltpu.async_copy(
                    bufo[b], out_hbm.at[pl.ds(base + c * CB, CB)], semw[b])

                @pl.when(c + 2 < NCHUNK)
                def _():
                    fire_gathers(b, c + 2)

    for b in range(2):
        drain_writeback(b)


def kernel(x, next_idx, twin_idx, twin_mask, W, b):
    w1 = W[:, :D].astype(jnp.bfloat16)
    w2 = W[:, D:].astype(jnp.bfloat16)
    y1, y2 = _matmul(x, w1, w2, b.reshape(1, D))

    def slab(a):
        a = a.astype(jnp.int32)
        return jnp.concatenate([a[: (NW - 1) * RPT], a[LASTBASE:]]).reshape(
            NW, NCHUNK, CB)

    nidx = slab(next_idx)
    tidx = slab(twin_idx)
    mask = slab(twin_mask)
    return _sc_gather_add(y1, y2, nidx, tidx, mask)

# --- scband reference (transcript-rebuilt; emitter-appended) ---
"""Pipeline reference for scband-half-edge-conv-63668595196147 (READ-ONLY COPY).

The authoritative reference and input builder live on the scoring server;
editing this copy changes nothing except your own understanding.
"""

import jax, jax.numpy as jnp
import numpy as np

N = 100000
D_IN = 128
D_OUT = 128

def setup_inputs(seed: int = 0) -> dict:
    key = jax.random.key(seed)
    k_x, k_next, k_twin, k_mask, k_w, k_b = jax.random.split(key, 6)
    x = jax.random.normal(k_x, (N, D_IN), dtype=jnp.float32)
    next_idx = jax.random.randint(k_next, (N,), 0, N, dtype=jnp.int64)
    twin_idx = jax.random.randint(k_twin, (N,), 0, N, dtype=jnp.int64)
    twin_mask = jax.random.randint(k_mask, (N,), 0, 2).astype(bool)
    # nn.Linear(in_channels*2, out_channels): W [out, 2*in], b [out]
    bound = 1.0 / np.sqrt(2 * D_IN)
    W = jax.random.uniform(k_w, (D_OUT, 2 * D_IN), dtype=jnp.float32, minval=-bound, maxval=bound)
    b = jax.random.uniform(k_b, (D_OUT,), dtype=jnp.float32, minval=-bound, maxval=bound)
    return {"x": x, "next_idx": next_idx, "twin_idx": twin_idx, "twin_mask": twin_mask, "W": W, "b": b}

def reference(x, next_idx, twin_idx, twin_mask, W, b):
    # Vectorized half-edge conv: for each half-edge i,
    #   next_feature = x[he.next.vertex.id]
    #   twin_feature = x[he.twin.vertex.id] if he.has_twin() else zeros
    #   out[i] = lin(cat([next_feature, twin_feature]))
    next_feature = jnp.take(x, next_idx, axis=0)
    twin_feature = jnp.take(x, twin_idx, axis=0) * twin_mask[:, None].astype(x.dtype)
    neighbor_feature = jnp.concatenate([next_feature, twin_feature], axis=-1)
    out = neighbor_feature @ W.T + b
    return jax.nn.relu(out)

if __name__ == "__main__":
    import jax
    _d = setup_inputs()
    print(jax.jit(kernel)(*tuple(_d.values())))

</pallas_src>

<mosaic_0001>
#map = affine_map<(d0, d1) -> (0, 0)>
#map1 = affine_map<(d0, d1) -> (0, 0, 0)>
module attributes {stable_mosaic.version = 14 : i64} {
  func.func @_sc_gather_add(%arg0: i32, %arg1: i32, %arg2: memref<102400x128xf32, #tpu.memory_space<hbm>>, %arg3: memref<102400x128xf32, #tpu.memory_space<hbm>>, %arg4: memref<32x25x128xi32, #tpu.memory_space<hbm>>, %arg5: memref<32x25x128xi32, #tpu.memory_space<hbm>>, %arg6: memref<32x25x128xi32, #tpu.memory_space<hbm>>, %arg7: memref<100000x128xf32, #tpu.memory_space<hbm>>, %arg8: memref<25x128xi32, #tpu.memory_space<vmem>>, %arg9: memref<25x128xi32, #tpu.memory_space<vmem>>, %arg10: memref<25x128xi32, #tpu.memory_space<vmem>>, %arg11: memref<128x128xf32, #tpu.memory_space<vmem>>, %arg12: memref<128x128xf32, #tpu.memory_space<vmem>>, %arg13: memref<128x128xf32, #tpu.memory_space<vmem>>, %arg14: memref<128x128xf32, #tpu.memory_space<vmem>>, %arg15: memref<128x128xf32, #tpu.memory_space<vmem>>, %arg16: memref<128x128xf32, #tpu.memory_space<vmem>>, %arg17: memref<!tpu.dma_semaphore, #tpu.memory_space<semaphore_mem>>, %arg18: memref<!tpu.dma_semaphore, #tpu.memory_space<semaphore_mem>>, %arg19: memref<!tpu.dma_semaphore, #tpu.memory_space<semaphore_mem>>, %arg20: memref<!tpu.dma_semaphore, #tpu.memory_space<semaphore_mem>>) attributes {dimension_semantics = [#tpu.dimension_semantics<core_parallel>, #tpu.dimension_semantics<subcore_parallel>], iteration_bounds = array<i64: 2, 16>, scalar_prefetch = 0 : i64, scratch_operands = 13 : i64, tpu.core_type = #tpu.core_type<sc_vector_subcore>, window_params = [{transform_indices = #map}, {transform_indices = #map}, {transform_indices = #map1}, {transform_indices = #map1}, {transform_indices = #map1}, {transform_indices = #map}]} {
    %mul3A = arith.constant 2 : i32
    %mul3A_0 = arith.muli %arg1, %mul3A : i32
    %add3A = arith.addi %mul3A_0, %arg0 : i32
    %mul3A_1 = arith.constant 3200 : i32
    %mul3A_2 = arith.muli %add3A, %mul3A_1 : i32
    %min3A = arith.constant 96800 : i32
    %min3A_3 = arith.minsi %mul3A_2, %min3A : i32
    "tpu.region"() ({
      %run_scoped3A = tpu.sem_alloc : memref<!tpu.dma_semaphore, #tpu.memory_space<semaphore_mem>>
      %dma_start3A_51 = arith.constant 0 : i32
      %dma_start3A_52 = arith.constant 0 : i32
      %dma_start3A_53 = tpu.memref_slice %arg4[%add3A, %dma_start3A_51, %dma_start3A_52] : memref<32x25x128xi32, #tpu.memory_space<hbm>> -> memref<1x25x128xi32, #tpu.memory_space<hbm>>
      %dma_start3A_54 = tpu.memref_squeeze %dma_start3A_53 : memref<1x25x128xi32, #tpu.memory_space<hbm>> -> memref<25x128xi32, #tpu.memory_space<hbm>>
      %dma_start3A_55 = arith.constant 0 : i32
      %dma_start3A_56 = arith.constant 0 : i32
      %dma_start3A_57 = tpu.memref_slice %arg4[%add3A, %dma_start3A_55, %dma_start3A_56] : memref<32x25x128xi32, #tpu.memory_space<hbm>> -> memref<1x25x128xi32, #tpu.memory_space<hbm>>
      %dma_start3A_58 = tpu.memref_squeeze %dma_start3A_57 : memref<1x25x128xi32, #tpu.memory_space<hbm>> -> memref<25x128xi32, #tpu.memory_space<hbm>>
      tpu.enqueue_dma source(%dma_start3A_58 : memref<25x128xi32, #tpu.memory_space<hbm>>) target(%arg8 : memref<25x128xi32, #tpu.memory_space<vmem>>) target_semaphore(%run_scoped3A : memref<!tpu.dma_semaphore, #tpu.memory_space<semaphore_mem>>)
      %dma_wait3A_59 = arith.constant 0 : i32
      %dma_wait3A_60 = arith.constant 0 : i32
      %dma_wait3A_61 = tpu.memref_slice %arg4[%add3A, %dma_wait3A_59, %dma_wait3A_60] : memref<32x25x128xi32, #tpu.memory_space<hbm>> -> memref<1x25x128xi32, #tpu.memory_space<hbm>>
      %dma_wait3A_62 = tpu.memref_squeeze %dma_wait3A_61 : memref<1x25x128xi32, #tpu.memory_space<hbm>> -> memref<25x128xi32, #tpu.memory_space<hbm>>
      %dma_wait3A_63 = arith.constant 0 : i32
      %dma_wait3A_64 = arith.constant 0 : i32
      %dma_wait3A_65 = tpu.memref_slice %arg4[%add3A, %dma_wait3A_63, %dma_wait3A_64] : memref<32x25x128xi32, #tpu.memory_space<hbm>> -> memref<1x25x128xi32, #tpu.memory_space<hbm>>
      %dma_wait3A_66 = tpu.memref_squeeze %dma_wait3A_65 : memref<1x25x128xi32, #tpu.memory_space<hbm>> -> memref<25x128xi32, #tpu.memory_space<hbm>>
      tpu.wait_dma2 semaphore(%run_scoped3A : memref<!tpu.dma_semaphore, #tpu.memory_space<semaphore_mem>>) src(%dma_wait3A_66 : memref<25x128xi32, #tpu.memory_space<hbm>>) dst(%arg8 : memref<25x128xi32, #tpu.memory_space<vmem>>)
      tpu.yield
    }) : () -> ()
    "tpu.region"() ({
      %run_scoped3A = tpu.sem_alloc : memref<!tpu.dma_semaphore, #tpu.memory_space<semaphore_mem>>
      %dma_start3A_51 = arith.constant 0 : i32
      %dma_start3A_52 = arith.constant 0 : i32
      %dma_start3A_53 = tpu.memref_slice %arg5[%add3A, %dma_start3A_51, %dma_start3A_52] : memref<32x25x128xi32, #tpu.memory_space<hbm>> -> memref<1x25x128xi32, #tpu.memory_space<hbm>>
      %dma_start3A_54 = tpu.memref_squeeze %dma_start3A_53 : memref<1x25x128xi32, #tpu.memory_space<hbm>> -> memref<25x128xi32, #tpu.memory_space<hbm>>
      %dma_start3A_55 = arith.constant 0 : i32
      %dma_start3A_56 = arith.constant 0 : i32
      %dma_start3A_57 = tpu.memref_slice %arg5[%add3A, %dma_start3A_55, %dma_start3A_56] : memref<32x25x128xi32, #tpu.memory_space<hbm>> -> memref<1x25x128xi32, #tpu.memory_space<hbm>>
      %dma_start3A_58 = tpu.memref_squeeze %dma_start3A_57 : memref<1x25x128xi32, #tpu.memory_space<hbm>> -> memref<25x128xi32, #tpu.memory_space<hbm>>
      tpu.enqueue_dma source(%dma_start3A_58 : memref<25x128xi32, #tpu.memory_space<hbm>>) target(%arg9 : memref<25x128xi32, #tpu.memory_space<vmem>>) target_semaphore(%run_scoped3A : memref<!tpu.dma_semaphore, #tpu.memory_space<semaphore_mem>>)
      %dma_wait3A_59 = arith.constant 0 : i32
      %dma_wait3A_60 = arith.constant 0 : i32
      %dma_wait3A_61 = tpu.memref_slice %arg5[%add3A, %dma_wait3A_59, %dma_wait3A_60] : memref<32x25x128xi32, #tpu.memory_space<hbm>> -> memref<1x25x128xi32, #tpu.memory_space<hbm>>
      %dma_wait3A_62 = tpu.memref_squeeze %dma_wait3A_61 : memref<1x25x128xi32, #tpu.memory_space<hbm>> -> memref<25x128xi32, #tpu.memory_space<hbm>>
      %dma_wait3A_63 = arith.constant 0 : i32
      %dma_wait3A_64 = arith.constant 0 : i32
      %dma_wait3A_65 = tpu.memref_slice %arg5[%add3A, %dma_wait3A_63, %dma_wait3A_64] : memref<32x25x128xi32, #tpu.memory_space<hbm>> -> memref<1x25x128xi32, #tpu.memory_space<hbm>>
      %dma_wait3A_66 = tpu.memref_squeeze %dma_wait3A_65 : memref<1x25x128xi32, #tpu.memory_space<hbm>> -> memref<25x128xi32, #tpu.memory_space<hbm>>
      tpu.wait_dma2 semaphore(%run_scoped3A : memref<!tpu.dma_semaphore, #tpu.memory_space<semaphore_mem>>) src(%dma_wait3A_66 : memref<25x128xi32, #tpu.memory_space<hbm>>) dst(%arg9 : memref<25x128xi32, #tpu.memory_space<vmem>>)
      tpu.yield
    }) : () -> ()
    "tpu.region"() ({
      %run_scoped3A = tpu.sem_alloc : memref<!tpu.dma_semaphore, #tpu.memory_space<semaphore_mem>>
      %dma_start3A_51 = arith.constant 0 : i32
      %dma_start3A_52 = arith.constant 0 : i32
      %dma_start3A_53 = tpu.memref_slice %arg6[%add3A, %dma_start3A_51, %dma_start3A_52] : memref<32x25x128xi32, #tpu.memory_space<hbm>> -> memref<1x25x128xi32, #tpu.memory_space<hbm>>
      %dma_start3A_54 = tpu.memref_squeeze %dma_start3A_53 : memref<1x25x128xi32, #tpu.memory_space<hbm>> -> memref<25x128xi32, #tpu.memory_space<hbm>>
      %dma_start3A_55 = arith.constant 0 : i32
      %dma_start3A_56 = arith.constant 0 : i32
      %dma_start3A_57 = tpu.memref_slice %arg6[%add3A, %dma_start3A_55, %dma_start3A_56] : memref<32x25x128xi32, #tpu.memory_space<hbm>> -> memref<1x25x128xi32, #tpu.memory_space<hbm>>
      %dma_start3A_58 = tpu.memref_squeeze %dma_start3A_57 : memref<1x25x128xi32, #tpu.memory_space<hbm>> -> memref<25x128xi32, #tpu.memory_space<hbm>>
      tpu.enqueue_dma source(%dma_start3A_58 : memref<25x128xi32, #tpu.memory_space<hbm>>) target(%arg10 : memref<25x128xi32, #tpu.memory_space<vmem>>) target_semaphore(%run_scoped3A : memref<!tpu.dma_semaphore, #tpu.memory_space<semaphore_mem>>)
      %dma_wait3A_59 = arith.constant 0 : i32
      %dma_wait3A_60 = arith.constant 0 : i32
      %dma_wait3A_61 = tpu.memref_slice %arg6[%add3A, %dma_wait3A_59, %dma_wait3A_60] : memref<32x25x128xi32, #tpu.memory_space<hbm>> -> memref<1x25x128xi32, #tpu.memory_space<hbm>>
      %dma_wait3A_62 = tpu.memref_squeeze %dma_wait3A_61 : memref<1x25x128xi32, #tpu.memory_space<hbm>> -> memref<25x128xi32, #tpu.memory_space<hbm>>
      %dma_wait3A_63 = arith.constant 0 : i32
      %dma_wait3A_64 = arith.constant 0 : i32
      %dma_wait3A_65 = tpu.memref_slice %arg6[%add3A, %dma_wait3A_63, %dma_wait3A_64] : memref<32x25x128xi32, #tpu.memory_space<hbm>> -> memref<1x25x128xi32, #tpu.memory_space<hbm>>
      %dma_wait3A_66 = tpu.memref_squeeze %dma_wait3A_65 : memref<1x25x128xi32, #tpu.memory_space<hbm>> -> memref<25x128xi32, #tpu.memory_space<hbm>>
      tpu.wait_dma2 semaphore(%run_scoped3A : memref<!tpu.dma_semaphore, #tpu.memory_space<semaphore_mem>>) src(%dma_wait3A_66 : memref<25x128xi32, #tpu.memory_space<hbm>>) dst(%arg10 : memref<25x128xi32, #tpu.memory_space<vmem>>)
      tpu.yield
    }) : () -> ()
    %iota3A = tpu.iota {dimensions = array<i32: 0>} : vector<16xi32>
    %scan3A = arith.constant 0 : i32
    %scan3A_4 = arith.constant 25 : i32
    %scan3A_5 = arith.addi %scan3A, %scan3A_4 : i32
    %scan3A_6 = arith.constant 1 : i32
    scf.for %scan3A_51 = %scan3A to %scan3A_5 step %scan3A_6  : i32 {
      %mul3A_52 = arith.constant 1 : i32
      %mul3A_53 = arith.muli %scan3A_51, %mul3A_52 : i32
      %add3A_54 = arith.constant 0 : i32
      %add3A_55 = arith.addi %add3A_54, %mul3A_53 : i32
      %get3A = arith.index_cast %add3A_55 : i32 to index
      %get3A_56 = arith.constant 0 : index
      %get3A_57 = tpu.vector_load %arg9[%get3A, %get3A_56] {strides = array<i32>} : memref<25x128xi32, #tpu.memory_space<vmem>>, vector<1x16xi32>,
      %get3A_58 = vector.shape_cast %get3A_57 : vector<1x16xi32> to vector<16xi32>
      %get3A_59 = arith.index_cast %add3A_55 : i32 to index
      %get3A_60 = arith.constant 0 : index
      %get3A_61 = tpu.vector_load %arg10[%get3A_59, %get3A_60] {strides = array<i32>} : memref<25x128xi32, #tpu.memory_space<vmem>>, vector<1x16xi32>,
      %get3A_62 = vector.shape_cast %get3A_61 : vector<1x16xi32> to vector<16xi32>
      %mul3A_63 = arith.constant 8 : i32
      %mul3A_64 = arith.muli %add3A_55, %mul3A_63 : i32
      %add3A_65 = arith.constant 0 : i32
      %add3A_66 = arith.addi %mul3A_64, %add3A_65 : i32
      %jit3A = arith.constant 150 : i32
      %eq3A = arith.constant 0 : i32
      %eq3A_67 = arith.cmpi eq, %jit3A, %eq3A : i32
      %jit3A_68 = arith.constant 1 : i32
      %select_n3A = arith.select %eq3A_67, %jit3A_68, %jit3A : i32
      %rem3A = arith.remsi %add3A_66, %select_n3A : i32
      %ne3A = arith.constant 0 : i32
      %ne3A_69 = arith.cmpi ne, %rem3A, %ne3A : i32
      %lt3A = arith.constant 0 : i32
      %lt3A_70 = arith.cmpi slt, %rem3A, %lt3A : i32
      %lt3A_71 = arith.constant 0 : i32
      %lt3A_72 = arith.cmpi slt, %select_n3A, %lt3A_71 : i32
      %ne3A_73 = arith.xori %lt3A_70, %lt3A_72 : i1
      %and3A = arith.andi %ne3A_73, %ne3A_69 : i1
      %add3A_74 = arith.addi %rem3A, %select_n3A : i32
      %select_n3A_75 = arith.select %and3A, %add3A_74, %rem3A : i32
      %mul3A_76 = arith.constant 16 : i32
      %mul3A_77 = arith.muli %select_n3A_75, %mul3A_76 : i32
      %add3A_78 = arith.constant 100000 : i32
      %add3A_79 = arith.addi %add3A_78, %mul3A_77 : i32
      %ne3A_80 = arith.constant 0 : i32
      %ne3A_81 = vector.broadcast %ne3A_80 : i32 to vector<16xi32>
      %ne3A_82 = arith.cmpi ne, %get3A_62, %ne3A_81 : vector<16xi32>
      %add3A_83 = vector.broadcast %add3A_79 : i32 to vector<16xi32>
      %add3A_84 = arith.addi %add3A_83, %iota3A : vector<16xi32>
      %select_n3A_85 = arith.select %ne3A_82, %get3A_58, %add3A_84 : vector<16xi1>, vector<16xi32>
      %swap3A = arith.index_cast %add3A_55 : i32 to index
      %swap3A_86 = arith.constant 0 : index
      %swap3A_87 = tpu.vector_load %arg9[%swap3A, %swap3A_86] {strides = array<i32>} : memref<25x128xi32, #tpu.memory_space<vmem>>, vector<1x16xi32>,
      %swap3A_88 = vector.shape_cast %swap3A_87 : vector<1x16xi32> to vector<16xi32>
      %swap3A_89 = vector.shape_cast %select_n3A_85 : vector<16xi32> to vector<1x16xi32>
      tpu.vector_store %arg9[%swap3A, %swap3A_86], %swap3A_89 {strides = array<i32>} : memref<25x128xi32, #tpu.memory_space<vmem>>, vector<1x16xi32>,
      %get3A_90 = arith.index_cast %add3A_55 : i32 to index
      %get3A_91 = arith.constant 16 : index
      %get3A_92 = tpu.vector_load %arg9[%get3A_90, %get3A_91] {strides = array<i32>} : memref<25x128xi32, #tpu.memory_space<vmem>>, vector<1x16xi32>,
      %get3A_93 = vector.shape_cast %get3A_92 : vector<1x16xi32> to vector<16xi32>
      %get3A_94 = arith.index_cast %add3A_55 : i32 to index
      %get3A_95 = arith.constant 16 : index
      %get3A_96 = tpu.vector_load %arg10[%get3A_94, %get3A_95] {strides = array<i32>} : memref<25x128xi32, #tpu.memory_space<vmem>>, vector<1x16xi32>,
      %get3A_97 = vector.shape_cast %get3A_96 : vector<1x16xi32> to vector<16xi32>
      %mul3A_98 = arith.constant 8 : i32
      %mul3A_99 = arith.muli %add3A_55, %mul3A_98 : i32
      %add3A_100 = arith.constant 1 : i32
      %add3A_101 = arith.addi %mul3A_99, %add3A_100 : i32
      %jit3A_102 = arith.constant 150 : i32
      %eq3A_103 = arith.constant 0 : i32
      %eq3A_104 = arith.cmpi eq, %jit3A_102, %eq3A_103 : i32
      %jit3A_105 = arith.constant 1 : i32
      %select_n3A_106 = arith.select %eq3A_104, %jit3A_105, %jit3A_102 : i32
      %rem3A_107 = arith.remsi %add3A_101, %select_n3A_106 : i32
      %ne3A_108 = arith.constant 0 : i32
      %ne3A_109 = arith.cmpi ne, %rem3A_107, %ne3A_108 : i32
      %lt3A_110 = arith.constant 0 : i32
      %lt3A_111 = arith.cmpi slt, %rem3A_107, %lt3A_110 : i32
      %lt3A_112 = arith.constant 0 : i32
      %lt3A_113 = arith.cmpi slt, %select_n3A_106, %lt3A_112 : i32
      %ne3A_114 = arith.xori %lt3A_111, %lt3A_113 : i1
      %and3A_115 = arith.andi %ne3A_114, %ne3A_109 : i1
      %add3A_116 = arith.addi %rem3A_107, %select_n3A_106 : i32
      %select_n3A_117 = arith.select %and3A_115, %add3A_116, %rem3A_107 : i32
      %mul3A_118 = arith.constant 16 : i32
      %mul3A_119 = arith.muli %select_n3A_117, %mul3A_118 : i32
      %add3A_120 = arith.constant 100000 : i32
      %add3A_121 = arith.addi %add3A_120, %mul3A_119 : i32
      %ne3A_122 = arith.constant 0 : i32
      %ne3A_123 = vector.broadcast %ne3A_122 : i32 to vector<16xi32>
      %ne3A_124 = arith.cmpi ne, %get3A_97, %ne3A_123 : vector<16xi32>
      %add3A_125 = vector.broadcast %add3A_121 : i32 to vector<16xi32>
      %add3A_126 = arith.addi %add3A_125, %iota3A : vector<16xi32>
      %select_n3A_127 = arith.select %ne3A_124, %get3A_93, %add3A_126 : vector<16xi1>, vector<16xi32>
      %swap3A_128 = arith.index_cast %add3A_55 : i32 to index
      %swap3A_129 = arith.constant 16 : index
      %swap3A_130 = tpu.vector_load %arg9[%swap3A_128, %swap3A_129] {strides = array<i32>} : memref<25x128xi32, #tpu.memory_space<vmem>>, vector<1x16xi32>,
      %swap3A_131 = vector.shape_cast %swap3A_130 : vector<1x16xi32> to vector<16xi32>
      %swap3A_132 = vector.shape_cast %select_n3A_127 : vector<16xi32> to vector<1x16xi32>
      tpu.vector_store %arg9[%swap3A_128, %swap3A_129], %swap3A_132 {strides = array<i32>} : memref<25x128xi32, #tpu.memory_space<vmem>>, vector<1x16xi32>,
      %get3A_133 = arith.index_cast %add3A_55 : i32 to index
      %get3A_134 = arith.constant 32 : index
      %get3A_135 = tpu.vector_load %arg9[%get3A_133, %get3A_134] {strides = array<i32>} : memref<25x128xi32, #tpu.memory_space<vmem>>, vector<1x16xi32>,
      %get3A_136 = vector.shape_cast %get3A_135 : vector<1x16xi32> to vector<16xi32>
      %get3A_137 = arith.index_cast %add3A_55 : i32 to index
      %get3A_138 = arith.constant 32 : index
      %get3A_139 = tpu.vector_load %arg10[%get3A_137, %get3A_138] {strides = array<i32>} : memref<25x128xi32, #tpu.memory_space<vmem>>, vector<1x16xi32>,
      %get3A_140 = vector.shape_cast %get3A_139 : vector<1x16xi32> to vector<16xi32>
      %mul3A_141 = arith.constant 8 : i32
      %mul3A_142 = arith.muli %add3A_55, %mul3A_141 : i32
      %add3A_143 = arith.constant 2 : i32
      %add3A_144 = arith.addi %mul3A_142, %add3A_143 : i32
      %jit3A_145 = arith.constant 150 : i32
      %eq3A_146 = arith.constant 0 : i32
      %eq3A_147 = arith.cmpi eq, %jit3A_145, %eq3A_146 : i32
      %jit3A_148 = arith.constant 1 : i32
      %select_n3A_149 = arith.select %eq3A_147, %jit3A_148, %jit3A_145 : i32
      %rem3A_150 = arith.remsi %add3A_144, %select_n3A_149 : i32
      %ne3A_151 = arith.constant 0 : i32
      %ne3A_152 = arith.cmpi ne, %rem3A_150, %ne3A_151 : i32
      %lt3A_153 = arith.constant 0 : i32
      %lt3A_154 = arith.cmpi slt, %rem3A_150, %lt3A_153 : i32
      %lt3A_155 = arith.constant 0 : i32
      %lt3A_156 = arith.cmpi slt, %select_n3A_149, %lt3A_155 : i32
      %ne3A_157 = arith.xori %lt3A_154, %lt3A_156 : i1
      %and3A_158 = arith.andi %ne3A_157, %ne3A_152 : i1
      %add3A_159 = arith.addi %rem3A_150, %select_n3A_149 : i32
      %select_n3A_160 = arith.select %and3A_158, %add3A_159, %rem3A_150 : i32
      %mul3A_161 = arith.constant 16 : i32
      %mul3A_162 = arith.muli %select_n3A_160, %mul3A_161 : i32
      %add3A_163 = arith.constant 100000 : i32
      %add3A_164 = arith.addi %add3A_163, %mul3A_162 : i32
      %ne3A_165 = arith.constant 0 : i32
      %ne3A_166 = vector.broadcast %ne3A_165 : i32 to vector<16xi32>
      %ne3A_167 = arith.cmpi ne, %get3A_140, %ne3A_166 : vector<16xi32>
      %add3A_168 = vector.broadcast %add3A_164 : i32 to vector<16xi32>
      %add3A_169 = arith.addi %add3A_168, %iota3A : vector<16xi32>
      %select_n3A_170 = arith.select %ne3A_167, %get3A_136, %add3A_169 : vector<16xi1>, vector<16xi32>
      %swap3A_171 = arith.index_cast %add3A_55 : i32 to index
      %swap3A_172 = arith.constant 32 : index
      %swap3A_173 = tpu.vector_load %arg9[%swap3A_171, %swap3A_172] {strides = array<i32>} : memref<25x128xi32, #tpu.memory_space<vmem>>, vector<1x16xi32>,
      %swap3A_174 = vector.shape_cast %swap3A_173 : vector<1x16xi32> to vector<16xi32>
      %swap3A_175 = vector.shape_cast %select_n3A_170 : vector<16xi32> to vector<1x16xi32>
      tpu.vector_store %arg9[%swap3A_171, %swap3A_172], %swap3A_175 {strides = array<i32>} : memref<25x128xi32, #tpu.memory_space<vmem>>, vector<1x16xi32>,
      %get3A_176 = arith.index_cast %add3A_55 : i32 to index
      %get3A_177 = arith.constant 48 : index
      %get3A_178 = tpu.vector_load %arg9[%get3A_176, %get3A_177] {strides = array<i32>} : memref<25x128xi32, #tpu.memory_space<vmem>>, vector<1x16xi32>,
      %get3A_179 = vector.shape_cast %get3A_178 : vector<1x16xi32> to vector<16xi32>
      %get3A_180 = arith.index_cast %add3A_55 : i32 to index
      %get3A_181 = arith.constant 48 : index
      %get3A_182 = tpu.vector_load %arg10[%get3A_180, %get3A_181] {strides = array<i32>} : memref<25x128xi32, #tpu.memory_space<vmem>>, vector<1x16xi32>,
      %get3A_183 = vector.shape_cast %get3A_182 : vector<1x16xi32> to vector<16xi32>
      %mul3A_184 = arith.constant 8 : i32
      %mul3A_185 = arith.muli %add3A_55, %mul3A_184 : i32
      %add3A_186 = arith.constant 3 : i32
      %add3A_187 = arith.addi %mul3A_185, %add3A_186 : i32
      %jit3A_188 = arith.constant 150 : i32
      %eq3A_189 = arith.constant 0 : i32
      %eq3A_190 = arith.cmpi eq, %jit3A_188, %eq3A_189 : i32
      %jit3A_191 = arith.constant 1 : i32
      %select_n3A_192 = arith.select %eq3A_190, %jit3A_191, %jit3A_188 : i32
      %rem3A_193 = arith.remsi %add3A_187, %select_n3A_192 : i32
      %ne3A_194 = arith.constant 0 : i32
      %ne3A_195 = arith.cmpi ne, %rem3A_193, %ne3A_194 : i32
      %lt3A_196 = arith.constant 0 : i32
      %lt3A_197 = arith.cmpi slt, %rem3A_193, %lt3A_196 : i32
      %lt3A_198 = arith.constant 0 : i32
      %lt3A_199 = arith.cmpi slt, %select_n3A_192, %lt3A_198 : i32
      %ne3A_200 = arith.xori %lt3A_197, %lt3A_199 : i1
      %and3A_201 = arith.andi %ne3A_200, %ne3A_195 : i1
      %add3A_202 = arith.addi %rem3A_193, %select_n3A_192 : i32
      %select_n3A_203 = arith.select %and3A_201, %add3A_202, %rem3A_193 : i32
      %mul3A_204 = arith.constant 16 : i32
      %mul3A_205 = arith.muli %select_n3A_203, %mul3A_204 : i32
      %add3A_206 = arith.constant 100000 : i32
      %add3A_207 = arith.addi %add3A_206, %mul3A_205 : i32
      %ne3A_208 = arith.constant 0 : i32
      %ne3A_209 = vector.broadcast %ne3A_208 : i32 to vector<16xi32>
      %ne3A_210 = arith.cmpi ne, %get3A_183, %ne3A_209 : vector<16xi32>
      %add3A_211 = vector.broadcast %add3A_207 : i32 to vector<16xi32>
      %add3A_212 = arith.addi %add3A_211, %iota3A : vector<16xi32>
      %select_n3A_213 = arith.select %ne3A_210, %get3A_179, %add3A_212 : vector<16xi1>, vector<16xi32>
      %swap3A_214 = arith.index_cast %add3A_55 : i32 to index
      %swap3A_215 = arith.constant 48 : index
      %swap3A_216 = tpu.vector_load %arg9[%swap3A_214, %swap3A_215] {strides = array<i32>} : memref<25x128xi32, #tpu.memory_space<vmem>>, vector<1x16xi32>,
      %swap3A_217 = vector.shape_cast %swap3A_216 : vector<1x16xi32> to vector<16xi32>
      %swap3A_218 = vector.shape_cast %select_n3A_213 : vector<16xi32> to vector<1x16xi32>
      tpu.vector_store %arg9[%swap3A_214, %swap3A_215], %swap3A_218 {strides = array<i32>} : memref<25x128xi32, #tpu.memory_space<vmem>>, vector<1x16xi32>,
      %get3A_219 = arith.index_cast %add3A_55 : i32 to index
      %get3A_220 = arith.constant 64 : index
      %get3A_221 = tpu.vector_load %arg9[%get3A_219, %get3A_220] {strides = array<i32>} : memref<25x128xi32, #tpu.memory_space<vmem>>, vector<1x16xi32>,
      %get3A_222 = vector.shape_cast %get3A_221 : vector<1x16xi32> to vector<16xi32>
      %get3A_223 = arith.index_cast %add3A_55 : i32 to index
      %get3A_224 = arith.constant 64 : index
      %get3A_225 = tpu.vector_load %arg10[%get3A_223, %get3A_224] {strides = array<i32>} : memref<25x128xi32, #tpu.memory_space<vmem>>, vector<1x16xi32>,
      %get3A_226 = vector.shape_cast %get3A_225 : vector<1x16xi32> to vector<16xi32>
      %mul3A_227 = arith.constant 8 : i32
      %mul3A_228 = arith.muli %add3A_55, %mul3A_227 : i32
      %add3A_229 = arith.constant 4 : i32
      %add3A_230 = arith.addi %mul3A_228, %add3A_229 : i32
      %jit3A_231 = arith.constant 150 : i32
      %eq3A_232 = arith.constant 0 : i32
      %eq3A_233 = arith.cmpi eq, %jit3A_231, %eq3A_232 : i32
      %jit3A_234 = arith.constant 1 : i32
      %select_n3A_235 = arith.select %eq3A_233, %jit3A_234, %jit3A_231 : i32
      %rem3A_236 = arith.remsi %add3A_230, %select_n3A_235 : i32
      %ne3A_237 = arith.constant 0 : i32
      %ne3A_238 = arith.cmpi ne, %rem3A_236, %ne3A_237 : i32
      %lt3A_239 = arith.constant 0 : i32
      %lt3A_240 = arith.cmpi slt, %rem3A_236, %lt3A_239 : i32
      %lt3A_241 = arith.constant 0 : i32
      %lt3A_242 = arith.cmpi slt, %select_n3A_235, %lt3A_241 : i32
      %ne3A_243 = arith.xori %lt3A_240, %lt3A_242 : i1
      %and3A_244 = arith.andi %ne3A_243, %ne3A_238 : i1
      %add3A_245 = arith.addi %rem3A_236, %select_n3A_235 : i32
      %select_n3A_246 = arith.select %and3A_244, %add3A_245, %rem3A_236 : i32
      %mul3A_247 = arith.constant 16 : i32
      %mul3A_248 = arith.muli %select_n3A_246, %mul3A_247 : i32
      %add3A_249 = arith.constant 100000 : i32
      %add3A_250 = arith.addi %add3A_249, %mul3A_248 : i32
      %ne3A_251 = arith.constant 0 : i32
      %ne3A_252 = vector.broadcast %ne3A_251 : i32 to vector<16xi32>
      %ne3A_253 = arith.cmpi ne, %get3A_226, %ne3A_252 : vector<16xi32>
      %add3A_254 = vector.broadcast %add3A_250 : i32 to vector<16xi32>
      %add3A_255 = arith.addi %add3A_254, %iota3A : vector<16xi32>
      %select_n3A_256 = arith.select %ne3A_253, %get3A_222, %add3A_255 : vector<16xi1>, vector<16xi32>
      %swap3A_257 = arith.index_cast %add3A_55 : i32 to index
      %swap3A_258 = arith.constant 64 : index
      %swap3A_259 = tpu.vector_load %arg9[%swap3A_257, %swap3A_258] {strides = array<i32>} : memref<25x128xi32, #tpu.memory_space<vmem>>, vector<1x16xi32>,
      %swap3A_260 = vector.shape_cast %swap3A_259 : vector<1x16xi32> to vector<16xi32>
      %swap3A_261 = vector.shape_cast %select_n3A_256 : vector<16xi32> to vector<1x16xi32>
      tpu.vector_store %arg9[%swap3A_257, %swap3A_258], %swap3A_261 {strides = array<i32>} : memref<25x128xi32, #tpu.memory_space<vmem>>, vector<1x16xi32>,
      %get3A_262 = arith.index_cast %add3A_55 : i32 to index
      %get3A_263 = arith.constant 80 : index
      %get3A_264 = tpu.vector_load %arg9[%get3A_262, %get3A_263] {strides = array<i32>} : memref<25x128xi32, #tpu.memory_space<vmem>>, vector<1x16xi32>,
      %get3A_265 = vector.shape_cast %get3A_264 : vector<1x16xi32> to vector<16xi32>
      %get3A_266 = arith.index_cast %add3A_55 : i32 to index
      %get3A_267 = arith.constant 80 : index
      %get3A_268 = tpu.vector_load %arg10[%get3A_266, %get3A_267] {strides = array<i32>} : memref<25x128xi32, #tpu.memory_space<vmem>>, vector<1x16xi32>,
      %get3A_269 = vector.shape_cast %get3A_268 : vector<1x16xi32> to vector<16xi32>
      %mul3A_270 = arith.constant 8 : i32
      %mul3A_271 = arith.muli %add3A_55, %mul3A_270 : i32
      %add3A_272 = arith.constant 5 : i32
      %add3A_273 = arith.addi %mul3A_271, %add3A_272 : i32
      %jit3A_274 = arith.constant 150 : i32
      %eq3A_275 = arith.constant 0 : i32
      %eq3A_276 = arith.cmpi eq, %jit3A_274, %eq3A_275 : i32
      %jit3A_277 = arith.constant 1 : i32
      %select_n3A_278 = arith.select %eq3A_276, %jit3A_277, %jit3A_274 : i32
      %rem3A_279 = arith.remsi %add3A_273, %select_n3A_278 : i32
      %ne3A_280 = arith.constant 0 : i32
      %ne3A_281 = arith.cmpi ne, %rem3A_279, %ne3A_280 : i32
      %lt3A_282 = arith.constant 0 : i32
      %lt3A_283 = arith.cmpi slt, %rem3A_279, %lt3A_282 : i32
      %lt3A_284 = arith.constant 0 : i32
      %lt3A_285 = arith.cmpi slt, %select_n3A_278, %lt3A_284 : i32
      %ne3A_286 = arith.xori %lt3A_283, %lt3A_285 : i1
      %and3A_287 = arith.andi %ne3A_286, %ne3A_281 : i1
      %add3A_288 = arith.addi %rem3A_279, %select_n3A_278 : i32
      %select_n3A_289 = arith.select %and3A_287, %add3A_288, %rem3A_279 : i32
      %mul3A_290 = arith.constant 16 : i32
      %mul3A_291 = arith.muli %select_n3A_289, %mul3A_290 : i32
      %add3A_292 = arith.constant 100000 : i32
      %add3A_293 = arith.addi %add3A_292, %mul3A_291 : i32
      %ne3A_294 = arith.constant 0 : i32
      %ne3A_295 = vector.broadcast %ne3A_294 : i32 to vector<16xi32>
      %ne3A_296 = arith.cmpi ne, %get3A_269, %ne3A_295 : vector<16xi32>
      %add3A_297 = vector.broadcast %add3A_293 : i32 to vector<16xi32>
      %add3A_298 = arith.addi %add3A_297, %iota3A : vector<16xi32>
      %select_n3A_299 = arith.select %ne3A_296, %get3A_265, %add3A_298 : vector<16xi1>, vector<16xi32>
      %swap3A_300 = arith.index_cast %add3A_55 : i32 to index
      %swap3A_301 = arith.constant 80 : index
      %swap3A_302 = tpu.vector_load %arg9[%swap3A_300, %swap3A_301] {strides = array<i32>} : memref<25x128xi32, #tpu.memory_space<vmem>>, vector<1x16xi32>,
      %swap3A_303 = vector.shape_cast %swap3A_302 : vector<1x16xi32> to vector<16xi32>
      %swap3A_304 = vector.shape_cast %select_n3A_299 : vector<16xi32> to vector<1x16xi32>
      tpu.vector_store %arg9[%swap3A_300, %swap3A_301], %swap3A_304 {strides = array<i32>} : memref<25x128xi32, #tpu.memory_space<vmem>>, vector<1x16xi32>,
      %get3A_305 = arith.index_cast %add3A_55 : i32 to index
      %get3A_306 = arith.constant 96 : index
      %get3A_307 = tpu.vector_load %arg9[%get3A_305, %get3A_306] {strides = array<i32>} : memref<25x128xi32, #tpu.memory_space<vmem>>, vector<1x16xi32>,
      %get3A_308 = vector.shape_cast %get3A_307 : vector<1x16xi32> to vector<16xi32>
      %get3A_309 = arith.index_cast %add3A_55 : i32 to index
      %get3A_310 = arith.constant 96 : index
      %get3A_311 = tpu.vector_load %arg10[%get3A_309, %get3A_310] {strides = array<i32>} : memref<25x128xi32, #tpu.memory_space<vmem>>, vector<1x16xi32>,
      %get3A_312 = vector.shape_cast %get3A_311 : vector<1x16xi32> to vector<16xi32>
      %mul3A_313 = arith.constant 8 : i32
      %mul3A_314 = arith.muli %add3A_55, %mul3A_313 : i32
      %add3A_315 = arith.constant 6 : i32
      %add3A_316 = arith.addi %mul3A_314, %add3A_315 : i32
      %jit3A_317 = arith.constant 150 : i32
      %eq3A_318 = arith.constant 0 : i32
      %eq3A_319 = arith.cmpi eq, %jit3A_317, %eq3A_318 : i32
      %jit3A_320 = arith.constant 1 : i32
      %select_n3A_321 = arith.select %eq3A_319, %jit3A_320, %jit3A_317 : i32
      %rem3A_322 = arith.remsi %add3A_316, %select_n3A_321 : i32
      %ne3A_323 = arith.constant 0 : i32
      %ne3A_324 = arith.cmpi ne, %rem3A_322, %ne3A_323 : i32
      %lt3A_325 = arith.constant 0 : i32
      %lt3A_326 = arith.cmpi slt, %rem3A_322, %lt3A_325 : i32
      %lt3A_327 = arith.constant 0 : i32
      %lt3A_328 = arith.cmpi slt, %select_n3A_321, %lt3A_327 : i32
      %ne3A_329 = arith.xori %lt3A_326, %lt3A_328 : i1
      %and3A_330 = arith.andi %ne3A_329, %ne3A_324 : i1
      %add3A_331 = arith.addi %rem3A_322, %select_n3A_321 : i32
      %select_n3A_332 = arith.select %and3A_330, %add3A_331, %rem3A_322 : i32
      %mul3A_333 = arith.constant 16 : i32
      %mul3A_334 = arith.muli %select_n3A_332, %mul3A_333 : i32
      %add3A_335 = arith.constant 100000 : i32
      %add3A_336 = arith.addi %add3A_335, %mul3A_334 : i32
      %ne3A_337 = arith.constant 0 : i32
      %ne3A_338 = vector.broadcast %ne3A_337 : i32 to vector<16xi32>
      %ne3A_339 = arith.cmpi ne, %get3A_312, %ne3A_338 : vector<16xi32>
      %add3A_340 = vector.broadcast %add3A_336 : i32 to vector<16xi32>
      %add3A_341 = arith.addi %add3A_340, %iota3A : vector<16xi32>
      %select_n3A_342 = arith.select %ne3A_339, %get3A_308, %add3A_341 : vector<16xi1>, vector<16xi32>
      %swap3A_343 = arith.index_cast %add3A_55 : i32 to index
      %swap3A_344 = arith.constant 96 : index
      %swap3A_345 = tpu.vector_load %arg9[%swap3A_343, %swap3A_344] {strides = array<i32>} : memref<25x128xi32, #tpu.memory_space<vmem>>, vector<1x16xi32>,
      %swap3A_346 = vector.shape_cast %swap3A_345 : vector<1x16xi32> to vector<16xi32>
      %swap3A_347 = vector.shape_cast %select_n3A_342 : vector<16xi32> to vector<1x16xi32>
      tpu.vector_store %arg9[%swap3A_343, %swap3A_344], %swap3A_347 {strides = array<i32>} : memref<25x128xi32, #tpu.memory_space<vmem>>, vector<1x16xi32>,
      %get3A_348 = arith.index_cast %add3A_55 : i32 to index
      %get3A_349 = arith.constant 112 : index
      %get3A_350 = tpu.vector_load %arg9[%get3A_348, %get3A_349] {strides = array<i32>} : memref<25x128xi32, #tpu.memory_space<vmem>>, vector<1x16xi32>,
      %get3A_351 = vector.shape_cast %get3A_350 : vector<1x16xi32> to vector<16xi32>
      %get3A_352 = arith.index_cast %add3A_55 : i32 to index
      %get3A_353 = arith.constant 112 : index
      %get3A_354 = tpu.vector_load %arg10[%get3A_352, %get3A_353] {strides = array<i32>} : memref<25x128xi32, #tpu.memory_space<vmem>>, vector<1x16xi32>,
      %get3A_355 = vector.shape_cast %get3A_354 : vector<1x16xi32> to vector<16xi32>
      %mul3A_356 = arith.constant 8 : i32
      %mul3A_357 = arith.muli %add3A_55, %mul3A_356 : i32
      %add3A_358 = arith.constant 7 : i32
      %add3A_359 = arith.addi %mul3A_357, %add3A_358 : i32
      %jit3A_360 = arith.constant 150 : i32
      %eq3A_361 = arith.constant 0 : i32
      %eq3A_362 = arith.cmpi eq, %jit3A_360, %eq3A_361 : i32
      %jit3A_363 = arith.constant 1 : i32
      %select_n3A_364 = arith.select %eq3A_362, %jit3A_363, %jit3A_360 : i32
      %rem3A_365 = arith.remsi %add3A_359, %select_n3A_364 : i32
      %ne3A_366 = arith.constant 0 : i32
      %ne3A_367 = arith.cmpi ne, %rem3A_365, %ne3A_366 : i32
      %lt3A_368 = arith.constant 0 : i32
      %lt3A_369 = arith.cmpi slt, %rem3A_365, %lt3A_368 : i32
      %lt3A_370 = arith.constant 0 : i32
      %lt3A_371 = arith.cmpi slt, %select_n3A_364, %lt3A_370 : i32
      %ne3A_372 = arith.xori %lt3A_369, %lt3A_371 : i1
      %and3A_373 = arith.andi %ne3A_372, %ne3A_367 : i1
      %add3A_374 = arith.addi %rem3A_365, %select_n3A_364 : i32
      %select_n3A_375 = arith.select %and3A_373, %add3A_374, %rem3A_365 : i32
      %mul3A_376 = arith.constant 16 : i32
      %mul3A_377 = arith.muli %select_n3A_375, %mul3A_376 : i32
      %add3A_378 = arith.constant 100000 : i32
      %add3A_379 = arith.addi %add3A_378, %mul3A_377 : i32
      %ne3A_380 = arith.constant 0 : i32
      %ne3A_381 = vector.broadcast %ne3A_380 : i32 to vector<16xi32>
      %ne3A_382 = arith.cmpi ne, %get3A_355, %ne3A_381 : vector<16xi32>
      %add3A_383 = vector.broadcast %add3A_379 : i32 to vector<16xi32>
      %add3A_384 = arith.addi %add3A_383, %iota3A : vector<16xi32>
      %select_n3A_385 = arith.select %ne3A_382, %get3A_351, %add3A_384 : vector<16xi1>, vector<16xi32>
      %swap3A_386 = arith.index_cast %add3A_55 : i32 to index
      %swap3A_387 = arith.constant 112 : index
      %swap3A_388 = tpu.vector_load %arg9[%swap3A_386, %swap3A_387] {strides = array<i32>} : memref<25x128xi32, #tpu.memory_space<vmem>>, vector<1x16xi32>,
      %swap3A_389 = vector.shape_cast %swap3A_388 : vector<1x16xi32> to vector<16xi32>
      %swap3A_390 = vector.shape_cast %select_n3A_385 : vector<16xi32> to vector<1x16xi32>
      tpu.vector_store %arg9[%swap3A_386, %swap3A_387], %swap3A_390 {strides = array<i32>} : memref<25x128xi32, #tpu.memory_space<vmem>>, vector<1x16xi32>,
    }
    %scan3A_7 = arith.constant 25 : i32
    %dma_start3A = arith.constant 0 : i32
    %dma_start3A_8 = arith.constant 0 : i32
    %dma_start3A_9 = tpu.memref_slice %arg8[%dma_start3A, %dma_start3A_8] : memref<25x128xi32, #tpu.memory_space<vmem>> -> memref<1x128xi32, #tpu.memory_space<vmem>>
    %dma_start3A_10 = tpu.memref_squeeze %dma_start3A_9 : memref<1x128xi32, #tpu.memory_space<vmem>> -> memref<128xi32, #tpu.memory_space<vmem>>
    %dma_start3A_11 = arith.constant 0 : i32
    %dma_start3A_12 = arith.constant 0 : i32
    %dma_start3A_13 = tpu.memref_slice %arg2[%dma_start3A_11, %dma_start3A_12] : memref<102400x128xf32, #tpu.memory_space<hbm>> -> memref<102400x128xf32, #tpu.memory_space<hbm>>
    tpu.enqueue_indirect_dma source(%dma_start3A_13 : memref<102400x128xf32, #tpu.memory_space<hbm>>) target(%arg11 : memref<128x128xf32, #tpu.memory_space<vmem>>) offsets(%dma_start3A_10 : memref<128xi32, #tpu.memory_space<vmem>>) semaphore(%arg17 : memref<!tpu.dma_semaphore, #tpu.memory_space<semaphore_mem>>)
    %dma_start3A_14 = arith.constant 0 : i32
    %dma_start3A_15 = arith.constant 0 : i32
    %dma_start3A_16 = tpu.memref_slice %arg9[%dma_start3A_14, %dma_start3A_15] : memref<25x128xi32, #tpu.memory_space<vmem>> -> memref<1x128xi32, #tpu.memory_space<vmem>>
    %dma_start3A_17 = tpu.memref_squeeze %dma_start3A_16 : memref<1x128xi32, #tpu.memory_space<vmem>> -> memref<128xi32, #tpu.memory_space<vmem>>
    %dma_start3A_18 = arith.constant 0 : i32
    %dma_start3A_19 = arith.constant 0 : i32
    %dma_start3A_20 = tpu.memref_slice %arg3[%dma_start3A_18, %dma_start3A_19] : memref<102400x128xf32, #tpu.memory_space<hbm>> -> memref<102400x128xf32, #tpu.memory_space<hbm>>
    tpu.enqueue_indirect_dma source(%dma_start3A_20 : memref<102400x128xf32, #tpu.memory_space<hbm>>) target(%arg13 : memref<128x128xf32, #tpu.memory_space<vmem>>) offsets(%dma_start3A_17 : memref<128xi32, #tpu.memory_space<vmem>>) semaphore(%arg17 : memref<!tpu.dma_semaphore, #tpu.memory_space<semaphore_mem>>)
    %dma_start3A_21 = arith.constant 1 : i32
    %dma_start3A_22 = arith.constant 0 : i32
    %dma_start3A_23 = tpu.memref_slice %arg8[%dma_start3A_21, %dma_start3A_22] : memref<25x128xi32, #tpu.memory_space<vmem>> -> memref<1x128xi32, #tpu.memory_space<vmem>>
    %dma_start3A_24 = tpu.memref_squeeze %dma_start3A_23 : memref<1x128xi32, #tpu.memory_space<vmem>> -> memref<128xi32, #tpu.memory_space<vmem>>
    %dma_start3A_25 = arith.constant 0 : i32
    %dma_start3A_26 = arith.constant 0 : i32
    %dma_start3A_27 = tpu.memref_slice %arg2[%dma_start3A_25, %dma_start3A_26] : memref<102400x128xf32, #tpu.memory_space<hbm>> -> memref<102400x128xf32, #tpu.memory_space<hbm>>
    tpu.enqueue_indirect_dma source(%dma_start3A_27 : memref<102400x128xf32, #tpu.memory_space<hbm>>) target(%arg12 : memref<128x128xf32, #tpu.memory_space<vmem>>) offsets(%dma_start3A_24 : memref<128xi32, #tpu.memory_space<vmem>>) semaphore(%arg18 : memref<!tpu.dma_semaphore, #tpu.memory_space<semaphore_mem>>)
    %dma_start3A_28 = arith.constant 1 : i32
    %dma_start3A_29 = arith.constant 0 : i32
    %dma_start3A_30 = tpu.memref_slice %arg9[%dma_start3A_28, %dma_start3A_29] : memref<25x128xi32, #tpu.memory_space<vmem>> -> memref<1x128xi32, #tpu.memory_space<vmem>>
    %dma_start3A_31 = tpu.memref_squeeze %dma_start3A_30 : memref<1x128xi32, #tpu.memory_space<vmem>> -> memref<128xi32, #tpu.memory_space<vmem>>
    %dma_start3A_32 = arith.constant 0 : i32
    %dma_start3A_33 = arith.constant 0 : i32
    %dma_start3A_34 = tpu.memref_slice %arg3[%dma_start3A_32, %dma_start3A_33] : memref<102400x128xf32, #tpu.memory_space<hbm>> -> memref<102400x128xf32, #tpu.memory_space<hbm>>
    tpu.enqueue_indirect_dma source(%dma_start3A_34 : memref<102400x128xf32, #tpu.memory_space<hbm>>) target(%arg14 : memref<128x128xf32, #tpu.memory_space<vmem>>) offsets(%dma_start3A_31 : memref<128xi32, #tpu.memory_space<vmem>>) semaphore(%arg18 : memref<!tpu.dma_semaphore, #tpu.memory_space<semaphore_mem>>)
    %scan3A_35 = arith.constant 0 : i32
    %scan3A_36 = arith.constant 13 : i32
    %scan3A_37 = arith.addi %scan3A_35, %scan3A_36 : i32
    %scan3A_38 = arith.constant 1 : i32
    scf.for %scan3A_51 = %scan3A_35 to %scan3A_37 step %scan3A_38  : i32 {
      %mul3A_52 = arith.constant 2 : i32
      %mul3A_53 = arith.muli %scan3A_51, %mul3A_52 : i32
      %add3A_54 = arith.constant 0 : i32
      %add3A_55 = arith.addi %add3A_54, %mul3A_53 : i32
      %add3A_56 = arith.constant 0 : i32
      %add3A_57 = arith.addi %add3A_55, %add3A_56 : i32
      %lt3A = arith.constant 25 : i32
      %lt3A_58 = arith.cmpi slt, %add3A_57, %lt3A : i32
      %convert_element_type3A = arith.extui %lt3A_58 : i1 to i32
      %cond3A = arith.constant 0 : i32
      %cond3A_59 = arith.cmpi ne, %convert_element_type3A, %cond3A : i32
      scf.if %cond3A_59 {
        %dma_wait3A_67 = arith.constant 0 : i32
        %dma_wait3A_68 = arith.constant 0 : i32
        %dma_wait3A_69 = tpu.memref_slice %arg2[%dma_wait3A_67, %dma_wait3A_68] : memref<102400x128xf32, #tpu.memory_space<hbm>> -> memref<128x128xf32, #tpu.memory_space<hbm>>
        %dma_wait3A_70 = arith.constant 0 : i32
        %dma_wait3A_71 = arith.constant 0 : i32
        %dma_wait3A_72 = tpu.memref_slice %arg2[%dma_wait3A_70, %dma_wait3A_71] : memref<102400x128xf32, #tpu.memory_space<hbm>> -> memref<128x128xf32, #tpu.memory_space<hbm>>
        tpu.wait_dma2 semaphore(%arg17 : memref<!tpu.dma_semaphore, #tpu.memory_space<semaphore_mem>>) src(%dma_wait3A_72 : memref<128x128xf32, #tpu.memory_space<hbm>>) dst(%arg11 : memref<128x128xf32, #tpu.memory_space<vmem>>)
        %dma_wait3A_73 = arith.constant 0 : i32
        %dma_wait3A_74 = arith.constant 0 : i32
        %dma_wait3A_75 = tpu.memref_slice %arg2[%dma_wait3A_73, %dma_wait3A_74] : memref<102400x128xf32, #tpu.memory_space<hbm>> -> memref<128x128xf32, #tpu.memory_space<hbm>>
        %dma_wait3A_76 = arith.constant 0 : i32
        %dma_wait3A_77 = arith.constant 0 : i32
        %dma_wait3A_78 = tpu.memref_slice %arg2[%dma_wait3A_76, %dma_wait3A_77] : memref<102400x128xf32, #tpu.memory_space<hbm>> -> memref<128x128xf32, #tpu.memory_space<hbm>>
        tpu.wait_dma2 semaphore(%arg17 : memref<!tpu.dma_semaphore, #tpu.memory_space<semaphore_mem>>) src(%dma_wait3A_78 : memref<128x128xf32, #tpu.memory_space<hbm>>) dst(%arg13 : memref<128x128xf32, #tpu.memory_space<vmem>>)
        %gt3A = arith.constant 0 : i32
        %gt3A_79 = arith.cmpi sgt, %add3A_55, %gt3A : i32
        %convert_element_type3A_80 = arith.extui %gt3A_79 : i1 to i32
        %cond3A_81 = arith.constant 0 : i32
        %cond3A_82 = arith.cmpi ne, %convert_element_type3A_80, %cond3A_81 : i32
        scf.if %cond3A_82 {
          %dma_wait3A_99 = arith.constant 0 : i32
          %dma_wait3A_100 = arith.constant 0 : i32
          %dma_wait3A_101 = tpu.memref_slice %arg7[%dma_wait3A_99, %dma_wait3A_100] : memref<100000x128xf32, #tpu.memory_space<hbm>> -> memref<128x128xf32, #tpu.memory_space<hbm>>
          %dma_wait3A_102 = arith.constant 0 : i32
          %dma_wait3A_103 = arith.constant 0 : i32
          %dma_wait3A_104 = tpu.memref_slice %arg7[%dma_wait3A_102, %dma_wait3A_103] : memref<100000x128xf32, #tpu.memory_space<hbm>> -> memref<128x128xf32, #tpu.memory_space<hbm>>
          tpu.wait_dma2 semaphore(%arg19 : memref<!tpu.dma_semaphore, #tpu.memory_space<semaphore_mem>>) src(%arg15 : memref<128x128xf32, #tpu.memory_space<vmem>>) dst(%dma_wait3A_104 : memref<128x128xf32, #tpu.memory_space<hbm>>)
        } else {
        }
        %parallel_loop3A = arith.constant 0 : i32
        %parallel_loop3A_83 = arith.constant 128 : i32
        %parallel_loop3A_84 = arith.constant 1 : i32
        scf.for %parallel_loop3A_99 = %parallel_loop3A to %parallel_loop3A_83 step %parallel_loop3A_84  : i32 {
          %parallel_loop3A_100 = arith.index_cast %parallel_loop3A_99 : i32 to index
          %parallel_loop3A_101 = arith.constant 0 : index
          %parallel_loop3A_102 = tpu.vector_load %arg11[%parallel_loop3A_100, %parallel_loop3A_101] {strides = array<i32>} : memref<128x128xf32, #tpu.memory_space<vmem>>, vector<1x16xf32>,
          %parallel_loop3A_103 = vector.shape_cast %parallel_loop3A_102 : vector<1x16xf32> to vector<16xf32>
          %parallel_loop3A_104 = arith.index_cast %parallel_loop3A_99 : i32 to index
          %parallel_loop3A_105 = arith.constant 0 : index
          %parallel_loop3A_106 = tpu.vector_load %arg13[%parallel_loop3A_104, %parallel_loop3A_105] {strides = array<i32>} : memref<128x128xf32, #tpu.memory_space<vmem>>, vector<1x16xf32>,
          %parallel_loop3A_107 = vector.shape_cast %parallel_loop3A_106 : vector<1x16xf32> to vector<16xf32>
          %parallel_loop3A_108 = arith.addf %parallel_loop3A_103, %parallel_loop3A_107 : vector<16xf32>
          %parallel_loop3A_109 = arith.constant 0.000000e+00 : f32
          %parallel_loop3A_110 = vector.broadcast %parallel_loop3A_109 : f32 to vector<16xf32>
          %parallel_loop3A_111 = arith.maximumf %parallel_loop3A_108, %parallel_loop3A_110 : vector<16xf32>
          %parallel_loop3A_112 = arith.index_cast %parallel_loop3A_99 : i32 to index
          %parallel_loop3A_113 = arith.constant 0 : index
          %parallel_loop3A_114 = tpu.vector_load %arg15[%parallel_loop3A_112, %parallel_loop3A_113] {strides = array<i32>} : memref<128x128xf32, #tpu.memory_space<vmem>>, vector<1x16xf32>,
          %parallel_loop3A_115 = vector.shape_cast %parallel_loop3A_114 : vector<1x16xf32> to vector<16xf32>
          %parallel_loop3A_116 = vector.shape_cast %parallel_loop3A_111 : vector<16xf32> to vector<1x16xf32>
          tpu.vector_store %arg15[%parallel_loop3A_112, %parallel_loop3A_113], %parallel_loop3A_116 {strides = array<i32>} : memref<128x128xf32, #tpu.memory_space<vmem>>, vector<1x16xf32>,
          %parallel_loop3A_117 = arith.index_cast %parallel_loop3A_99 : i32 to index
          %parallel_loop3A_118 = arith.constant 16 : index
          %parallel_loop3A_119 = tpu.vector_load %arg11[%parallel_loop3A_117, %parallel_loop3A_118] {strides = array<i32>} : memref<128x128xf32, #tpu.memory_space<vmem>>, vector<1x16xf32>,
          %parallel_loop3A_120 = vector.shape_cast %parallel_loop3A_119 : vector<1x16xf32> to vector<16xf32>
          %parallel_loop3A_121 = arith.index_cast %parallel_loop3A_99 : i32 to index
          %parallel_loop3A_122 = arith.constant 16 : index
          %parallel_loop3A_123 = tpu.vector_load %arg13[%parallel_loop3A_121, %parallel_loop3A_122] {strides = array<i32>} : memref<128x128xf32, #tpu.memory_space<vmem>>, vector<1x16xf32>,
          %parallel_loop3A_124 = vector.shape_cast %parallel_loop3A_123 : vector<1x16xf32> to vector<16xf32>
          %parallel_loop3A_125 = arith.addf %parallel_loop3A_120, %parallel_loop3A_124 : vector<16xf32>
          %parallel_loop3A_126 = arith.constant 0.000000e+00 : f32
          %parallel_loop3A_127 = vector.broadcast %parallel_loop3A_126 : f32 to vector<16xf32>
          %parallel_loop3A_128 = arith.maximumf %parallel_loop3A_125, %parallel_loop3A_127 : vector<16xf32>
          %parallel_loop3A_129 = arith.index_cast %parallel_loop3A_99 : i32 to index
          %parallel_loop3A_130 = arith.constant 16 : index
          %parallel_loop3A_131 = tpu.vector_load %arg15[%parallel_loop3A_129, %parallel_loop3A_130] {strides = array<i32>} : memref<128x128xf32, #tpu.memory_space<vmem>>, vector<1x16xf32>,
          %parallel_loop3A_132 = vector.shape_cast %parallel_loop3A_131 : vector<1x16xf32> to vector<16xf32>
          %parallel_loop3A_133 = vector.shape_cast %parallel_loop3A_128 : vector<16xf32> to vector<1x16xf32>
          tpu.vector_store %arg15[%parallel_loop3A_129, %parallel_loop3A_130], %parallel_loop3A_133 {strides = array<i32>} : memref<128x128xf32, #tpu.memory_space<vmem>>, vector<1x16xf32>,
          %parallel_loop3A_134 = arith.index_cast %parallel_loop3A_99 : i32 to index
          %parallel_loop3A_135 = arith.constant 32 : index
          %parallel_loop3A_136 = tpu.vector_load %arg11[%parallel_loop3A_134, %parallel_loop3A_135] {strides = array<i32>} : memref<128x128xf32, #tpu.memory_space<vmem>>, vector<1x16xf32>,
          %parallel_loop3A_137 = vector.shape_cast %parallel_loop3A_136 : vector<1x16xf32> to vector<16xf32>
          %parallel_loop3A_138 = arith.index_cast %parallel_loop3A_99 : i32 to index
          %parallel_loop3A_139 = arith.constant 32 : index
          %parallel_loop3A_140 = tpu.vector_load %arg13[%parallel_loop3A_138, %parallel_loop3A_139] {strides = array<i32>} : memref<128x128xf32, #tpu.memory_space<vmem>>, vector<1x16xf32>,
          %parallel_loop3A_141 = vector.shape_cast %parallel_loop3A_140 : vector<1x16xf32> to vector<16xf32>
          %parallel_loop3A_142 = arith.addf %parallel_loop3A_137, %parallel_loop3A_141 : vector<16xf32>
          %parallel_loop3A_143 = arith.constant 0.000000e+00 : f32
          %parallel_loop3A_144 = vector.broadcast %parallel_loop3A_143 : f32 to vector<16xf32>
          %parallel_loop3A_145 = arith.maximumf %parallel_loop3A_142, %parallel_loop3A_144 : vector<16xf32>
          %parallel_loop3A_146 = arith.index_cast %parallel_loop3A_99 : i32 to index
          %parallel_loop3A_147 = arith.constant 32 : index
          %parallel_loop3A_148 = tpu.vector_load %arg15[%parallel_loop3A_146, %parallel_loop3A_147] {strides = array<i32>} : memref<128x128xf32, #tpu.memory_space<vmem>>, vector<1x16xf32>,
          %parallel_loop3A_149 = vector.shape_cast %parallel_loop3A_148 : vector<1x16xf32> to vector<16xf32>
          %parallel_loop3A_150 = vector.shape_cast %parallel_loop3A_145 : vector<16xf32> to vector<1x16xf32>
          tpu.vector_store %arg15[%parallel_loop3A_146, %parallel_loop3A_147], %parallel_loop3A_150 {strides = array<i32>} : memref<128x128xf32, #tpu.memory_space<vmem>>, vector<1x16xf32>,
          %parallel_loop3A_151 = arith.index_cast %parallel_loop3A_99 : i32 to index
          %parallel_loop3A_152 = arith.constant 48 : index
          %parallel_loop3A_153 = tpu.vector_load %arg11[%parallel_loop3A_151, %parallel_loop3A_152] {strides = array<i32>} : memref<128x128xf32, #tpu.memory_space<vmem>>, vector<1x16xf32>,
          %parallel_loop3A_154 = vector.shape_cast %parallel_loop3A_153 : vector<1x16xf32> to vector<16xf32>
          %parallel_loop3A_155 = arith.index_cast %parallel_loop3A_99 : i32 to index
          %parallel_loop3A_156 = arith.constant 48 : index
          %parallel_loop3A_157 = tpu.vector_load %arg13[%parallel_loop3A_155, %parallel_loop3A_156] {strides = array<i32>} : memref<128x128xf32, #tpu.memory_space<vmem>>, vector<1x16xf32>,
          %parallel_loop3A_158 = vector.shape_cast %parallel_loop3A_157 : vector<1x16xf32> to vector<16xf32>
          %parallel_loop3A_159 = arith.addf %parallel_loop3A_154, %parallel_loop3A_158 : vector<16xf32>
          %parallel_loop3A_160 = arith.constant 0.000000e+00 : f32
          %parallel_loop3A_161 = vector.broadcast %parallel_loop3A_160 : f32 to vector<16xf32>
          %parallel_loop3A_162 = arith.maximumf %parallel_loop3A_159, %parallel_loop3A_161 : vector<16xf32>
          %parallel_loop3A_163 = arith.index_cast %parallel_loop3A_99 : i32 to index
          %parallel_loop3A_164 = arith.constant 48 : index
          %parallel_loop3A_165 = tpu.vector_load %arg15[%parallel_loop3A_163, %parallel_loop3A_164] {strides = array<i32>} : memref<128x128xf32, #tpu.memory_space<vmem>>, vector<1x16xf32>,
          %parallel_loop3A_166 = vector.shape_cast %parallel_loop3A_165 : vector<1x16xf32> to vector<16xf32>
          %parallel_loop3A_167 = vector.shape_cast %parallel_loop3A_162 : vector<16xf32> to vector<1x16xf32>
          tpu.vector_store %arg15[%parallel_loop3A_163, %parallel_loop3A_164], %parallel_loop3A_167 {strides = array<i32>} : memref<128x128xf32, #tpu.memory_space<vmem>>, vector<1x16xf32>,
          %parallel_loop3A_168 = arith.index_cast %parallel_loop3A_99 : i32 to index
          %parallel_loop3A_169 = arith.constant 64 : index
          %parallel_loop3A_170 = tpu.vector_load %arg11[%parallel_loop3A_168, %parallel_loop3A_169] {strides = array<i32>} : memref<128x128xf32, #tpu.memory_space<vmem>>, vector<1x16xf32>,
          %parallel_loop3A_171 = vector.shape_cast %parallel_loop3A_170 : vector<1x16xf32> to vector<16xf32>
          %parallel_loop3A_172 = arith.index_cast %parallel_loop3A_99 : i32 to index
          %parallel_loop3A_173 = arith.constant 64 : index
          %parallel_loop3A_174 = tpu.vector_load %arg13[%parallel_loop3A_172, %parallel_loop3A_173] {strides = array<i32>} : memref<128x128xf32, #tpu.memory_space<vmem>>, vector<1x16xf32>,
          %parallel_loop3A_175 = vector.shape_cast %parallel_loop3A_174 : vector<1x16xf32> to vector<16xf32>
          %parallel_loop3A_176 = arith.addf %parallel_loop3A_171, %parallel_loop3A_175 : vector<16xf32>
          %parallel_loop3A_177 = arith.constant 0.000000e+00 : f32
          %parallel_loop3A_178 = vector.broadcast %parallel_loop3A_177 : f32 to vector<16xf32>
          %parallel_loop3A_179 = arith.maximumf %parallel_loop3A_176, %parallel_loop3A_178 : vector<16xf32>
          %parallel_loop3A_180 = arith.index_cast %parallel_loop3A_99 : i32 to index
          %parallel_loop3A_181 = arith.constant 64 : index
          %parallel_loop3A_182 = tpu.vector_load %arg15[%parallel_loop3A_180, %parallel_loop3A_181] {strides = array<i32>} : memref<128x128xf32, #tpu.memory_space<vmem>>, vector<1x16xf32>,
          %parallel_loop3A_183 = vector.shape_cast %parallel_loop3A_182 : vector<1x16xf32> to vector<16xf32>
          %parallel_loop3A_184 = vector.shape_cast %parallel_loop3A_179 : vector<16xf32> to vector<1x16xf32>
          tpu.vector_store %arg15[%parallel_loop3A_180, %parallel_loop3A_181], %parallel_loop3A_184 {strides = array<i32>} : memref<128x128xf32, #tpu.memory_space<vmem>>, vector<1x16xf32>,
          %parallel_loop3A_185 = arith.index_cast %parallel_loop3A_99 : i32 to index
          %parallel_loop3A_186 = arith.constant 80 : index
          %parallel_loop3A_187 = tpu.vector_load %arg11[%parallel_loop3A_185, %parallel_loop3A_186] {strides = array<i32>} : memref<128x128xf32, #tpu.memory_space<vmem>>, vector<1x16xf32>,
          %parallel_loop3A_188 = vector.shape_cast %parallel_loop3A_187 : vector<1x16xf32> to vector<16xf32>
          %parallel_loop3A_189 = arith.index_cast %parallel_loop3A_99 : i32 to index
          %parallel_loop3A_190 = arith.constant 80 : index
          %parallel_loop3A_191 = tpu.vector_load %arg13[%parallel_loop3A_189, %parallel_loop3A_190] {strides = array<i32>} : memref<128x128xf32, #tpu.memory_space<vmem>>, vector<1x16xf32>,
          %parallel_loop3A_192 = vector.shape_cast %parallel_loop3A_191 : vector<1x16xf32> to vector<16xf32>
          %parallel_loop3A_193 = arith.addf %parallel_loop3A_188, %parallel_loop3A_192 : vector<16xf32>
          %parallel_loop3A_194 = arith.constant 0.000000e+00 : f32
          %parallel_loop3A_195 = vector.broadcast %parallel_loop3A_194 : f32 to vector<16xf32>
          %parallel_loop3A_196 = arith.maximumf %parallel_loop3A_193, %parallel_loop3A_195 : vector<16xf32>
          %parallel_loop3A_197 = arith.index_cast %parallel_loop3A_99 : i32 to index
          %parallel_loop3A_198 = arith.constant 80 : index
          %parallel_loop3A_199 = tpu.vector_load %arg15[%parallel_loop3A_197, %parallel_loop3A_198] {strides = array<i32>} : memref<128x128xf32, #tpu.memory_space<vmem>>, vector<1x16xf32>,
          %parallel_loop3A_200 = vector.shape_cast %parallel_loop3A_199 : vector<1x16xf32> to vector<16xf32>
          %parallel_loop3A_201 = vector.shape_cast %parallel_loop3A_196 : vector<16xf32> to vector<1x16xf32>
          tpu.vector_store %arg15[%parallel_loop3A_197, %parallel_loop3A_198], %parallel_loop3A_201 {strides = array<i32>} : memref<128x128xf32, #tpu.memory_space<vmem>>, vector<1x16xf32>,
          %parallel_loop3A_202 = arith.index_cast %parallel_loop3A_99 : i32 to index
          %parallel_loop3A_203 = arith.constant 96 : index
          %parallel_loop3A_204 = tpu.vector_load %arg11[%parallel_loop3A_202, %parallel_loop3A_203] {strides = array<i32>} : memref<128x128xf32, #tpu.memory_space<vmem>>, vector<1x16xf32>,
          %parallel_loop3A_205 = vector.shape_cast %parallel_loop3A_204 : vector<1x16xf32> to vector<16xf32>
          %parallel_loop3A_206 = arith.index_cast %parallel_loop3A_99 : i32 to index
          %parallel_loop3A_207 = arith.constant 96 : index
          %parallel_loop3A_208 = tpu.vector_load %arg13[%parallel_loop3A_206, %parallel_loop3A_207] {strides = array<i32>} : memref<128x128xf32, #tpu.memory_space<vmem>>, vector<1x16xf32>,
          %parallel_loop3A_209 = vector.shape_cast %parallel_loop3A_208 : vector<1x16xf32> to vector<16xf32>
          %parallel_loop3A_210 = arith.addf %parallel_loop3A_205, %parallel_loop3A_209 : vector<16xf32>
          %parallel_loop3A_211 = arith.constant 0.000000e+00 : f32
          %parallel_loop3A_212 = vector.broadcast %parallel_loop3A_211 : f32 to vector<16xf32>
          %parallel_loop3A_213 = arith.maximumf %parallel_loop3A_210, %parallel_loop3A_212 : vector<16xf32>
          %parallel_loop3A_214 = arith.index_cast %parallel_loop3A_99 : i32 to index
          %parallel_loop3A_215 = arith.constant 96 : index
          %parallel_loop3A_216 = tpu.vector_load %arg15[%parallel_loop3A_214, %parallel_loop3A_215] {strides = array<i32>} : memref<128x128xf32, #tpu.memory_space<vmem>>, vector<1x16xf32>,
          %parallel_loop3A_217 = vector.shape_cast %parallel_loop3A_216 : vector<1x16xf32> to vector<16xf32>
          %parallel_loop3A_218 = vector.shape_cast %parallel_loop3A_213 : vector<16xf32> to vector<1x16xf32>
          tpu.vector_store %arg15[%parallel_loop3A_214, %parallel_loop3A_215], %parallel_loop3A_218 {strides = array<i32>} : memref<128x128xf32, #tpu.memory_space<vmem>>, vector<1x16xf32>,
          %parallel_loop3A_219 = arith.index_cast %parallel_loop3A_99 : i32 to index
          %parallel_loop3A_220 = arith.constant 112 : index
          %parallel_loop3A_221 = tpu.vector_load %arg11[%parallel_loop3A_219, %parallel_loop3A_220] {strides = array<i32>} : memref<128x128xf32, #tpu.memory_space<vmem>>, vector<1x16xf32>,
          %parallel_loop3A_222 = vector.shape_cast %parallel_loop3A_221 : vector<1x16xf32> to vector<16xf32>
          %parallel_loop3A_223 = arith.index_cast %parallel_loop3A_99 : i32 to index
          %parallel_loop3A_224 = arith.constant 112 : index
          %parallel_loop3A_225 = tpu.vector_load %arg13[%parallel_loop3A_223, %parallel_loop3A_224] {strides = array<i32>} : memref<128x128xf32, #tpu.memory_space<vmem>>, vector<1x16xf32>,
          %parallel_loop3A_226 = vector.shape_cast %parallel_loop3A_225 : vector<1x16xf32> to vector<16xf32>
          %parallel_loop3A_227 = arith.addf %parallel_loop3A_222, %parallel_loop3A_226 : vector<16xf32>
          %parallel_loop3A_228 = arith.constant 0.000000e+00 : f32
          %parallel_loop3A_229 = vector.broadcast %parallel_loop3A_228 : f32 to vector<16xf32>
          %parallel_loop3A_230 = arith.maximumf %parallel_loop3A_227, %parallel_loop3A_229 : vector<16xf32>
          %parallel_loop3A_231 = arith.index_cast %parallel_loop3A_99 : i32 to index
          %parallel_loop3A_232 = arith.constant 112 : index
          %parallel_loop3A_233 = tpu.vector_load %arg15[%parallel_loop3A_231, %parallel_loop3A_232] {strides = array<i32>} : memref<128x128xf32, #tpu.memory_space<vmem>>, vector<1x16xf32>,
          %parallel_loop3A_234 = vector.shape_cast %parallel_loop3A_233 : vector<1x16xf32> to vector<16xf32>
          %parallel_loop3A_235 = vector.shape_cast %parallel_loop3A_230 : vector<16xf32> to vector<1x16xf32>
          tpu.vector_store %arg15[%parallel_loop3A_231, %parallel_loop3A_232], %parallel_loop3A_235 {strides = array<i32>} : memref<128x128xf32, #tpu.memory_space<vmem>>, vector<1x16xf32>,
        } {sc.loop_unroll_factor = 2 : i64, sc.parallel_access}
        %mul3A_85 = arith.constant 128 : i32
        %mul3A_86 = arith.muli %add3A_57, %mul3A_85 : i32
        %add3A_87 = arith.addi %min3A_3, %mul3A_86 : i32
        %dma_start3A_88 = arith.constant 0 : i32
        %dma_start3A_89 = tpu.memref_slice %arg7[%add3A_87, %dma_start3A_88] : memref<100000x128xf32, #tpu.memory_space<hbm>> -> memref<128x128xf32, #tpu.memory_space<hbm>>
        %dma_start3A_90 = arith.constant 0 : i32
        %dma_start3A_91 = tpu.memref_slice %arg7[%add3A_87, %dma_start3A_90] : memref<100000x128xf32, #tpu.memory_space<hbm>> -> memref<128x128xf32, #tpu.memory_space<hbm>>
        tpu.enqueue_dma source(%arg15 : memref<128x128xf32, #tpu.memory_space<vmem>>) target(%dma_start3A_91 : memref<128x128xf32, #tpu.memory_space<hbm>>) target_semaphore(%arg19 : memref<!tpu.dma_semaphore, #tpu.memory_space<semaphore_mem>>)
        %add3A_92 = arith.constant 2 : i32
        %add3A_93 = arith.addi %add3A_57, %add3A_92 : i32
        %lt3A_94 = arith.constant 25 : i32
        %lt3A_95 = arith.cmpi slt, %add3A_93, %lt3A_94 : i32
        %convert_element_type3A_96 = arith.extui %lt3A_95 : i1 to i32
        %cond3A_97 = arith.constant 0 : i32
        %cond3A_98 = arith.cmpi ne, %convert_element_type3A_96, %cond3A_97 : i32
        scf.if %cond3A_98 {
          %add3A_99 = arith.constant 2 : i32
          %add3A_100 = arith.addi %add3A_57, %add3A_99 : i32
          %dma_start3A_101 = arith.constant 0 : i32
          %dma_start3A_102 = tpu.memref_slice %arg8[%add3A_100, %dma_start3A_101] : memref<25x128xi32, #tpu.memory_space<vmem>> -> memref<1x128xi32, #tpu.memory_space<vmem>>
          %dma_start3A_103 = tpu.memref_squeeze %dma_start3A_102 : memref<1x128xi32, #tpu.memory_space<vmem>> -> memref<128xi32, #tpu.memory_space<vmem>>
          %dma_start3A_104 = arith.constant 0 : i32
          %dma_start3A_105 = arith.constant 0 : i32
          %dma_start3A_106 = tpu.memref_slice %arg2[%dma_start3A_104, %dma_start3A_105] : memref<102400x128xf32, #tpu.memory_space<hbm>> -> memref<102400x128xf32, #tpu.memory_space<hbm>>
          tpu.enqueue_indirect_dma source(%dma_start3A_106 : memref<102400x128xf32, #tpu.memory_space<hbm>>) target(%arg11 : memref<128x128xf32, #tpu.memory_space<vmem>>) offsets(%dma_start3A_103 : memref<128xi32, #tpu.memory_space<vmem>>) semaphore(%arg17 : memref<!tpu.dma_semaphore, #tpu.memory_space<semaphore_mem>>)
          %dma_start3A_107 = arith.constant 0 : i32
          %dma_start3A_108 = tpu.memref_slice %arg9[%add3A_100, %dma_start3A_107] : memref<25x128xi32, #tpu.memory_space<vmem>> -> memref<1x128xi32, #tpu.memory_space<vmem>>
          %dma_start3A_109 = tpu.memref_squeeze %dma_start3A_108 : memref<1x128xi32, #tpu.memory_space<vmem>> -> memref<128xi32, #tpu.memory_space<vmem>>
          %dma_start3A_110 = arith.constant 0 : i32
          %dma_start3A_111 = arith.constant 0 : i32
          %dma_start3A_112 = tpu.memref_slice %arg3[%dma_start3A_110, %dma_start3A_111] : memref<102400x128xf32, #tpu.memory_space<hbm>> -> memref<102400x128xf32, #tpu.memory_space<hbm>>
          tpu.enqueue_indirect_dma source(%dma_start3A_112 : memref<102400x128xf32, #tpu.memory_space<hbm>>) target(%arg13 : memref<128x128xf32, #tpu.memory_space<vmem>>) offsets(%dma_start3A_109 : memref<128xi32, #tpu.memory_space<vmem>>) semaphore(%arg17 : memref<!tpu.dma_semaphore, #tpu.memory_space<semaphore_mem>>)
        } else {
        }
      } else {
      }
      %add3A_60 = arith.constant 1 : i32
      %add3A_61 = arith.addi %add3A_55, %add3A_60 : i32
      %lt3A_62 = arith.constant 25 : i32
      %lt3A_63 = arith.cmpi slt, %add3A_61, %lt3A_62 : i32
      %convert_element_type3A_64 = arith.extui %lt3A_63 : i1 to i32
      %cond3A_65 = arith.constant 0 : i32
      %cond3A_66 = arith.cmpi ne, %convert_element_type3A_64, %cond3A_65 : i32
      scf.if %cond3A_66 {
        %dma_wait3A_67 = arith.constant 0 : i32
        %dma_wait3A_68 = arith.constant 0 : i32
        %dma_wait3A_69 = tpu.memref_slice %arg2[%dma_wait3A_67, %dma_wait3A_68] : memref<102400x128xf32, #tpu.memory_space<hbm>> -> memref<128x128xf32, #tpu.memory_space<hbm>>
        %dma_wait3A_70 = arith.constant 0 : i32
        %dma_wait3A_71 = arith.constant 0 : i32
        %dma_wait3A_72 = tpu.memref_slice %arg2[%dma_wait3A_70, %dma_wait3A_71] : memref<102400x128xf32, #tpu.memory_space<hbm>> -> memref<128x128xf32, #tpu.memory_space<hbm>>
        tpu.wait_dma2 semaphore(%arg18 : memref<!tpu.dma_semaphore, #tpu.memory_space<semaphore_mem>>) src(%dma_wait3A_72 : memref<128x128xf32, #tpu.memory_space<hbm>>) dst(%arg12 : memref<128x128xf32, #tpu.memory_space<vmem>>)
        %dma_wait3A_73 = arith.constant 0 : i32
        %dma_wait3A_74 = arith.constant 0 : i32
        %dma_wait3A_75 = tpu.memref_slice %arg2[%dma_wait3A_73, %dma_wait3A_74] : memref<102400x128xf32, #tpu.memory_space<hbm>> -> memref<128x128xf32, #tpu.memory_space<hbm>>
        %dma_wait3A_76 = arith.constant 0 : i32
        %dma_wait3A_77 = arith.constant 0 : i32
        %dma_wait3A_78 = tpu.memref_slice %arg2[%dma_wait3A_76, %dma_wait3A_77] : memref<102400x128xf32, #tpu.memory_space<hbm>> -> memref<128x128xf32, #tpu.memory_space<hbm>>
        tpu.wait_dma2 semaphore(%arg18 : memref<!tpu.dma_semaphore, #tpu.memory_space<semaphore_mem>>) src(%dma_wait3A_78 : memref<128x128xf32, #tpu.memory_space<hbm>>) dst(%arg14 : memref<128x128xf32, #tpu.memory_space<vmem>>)
        %gt3A = arith.constant 0 : i32
        %gt3A_79 = arith.cmpi sgt, %add3A_55, %gt3A : i32
        %convert_element_type3A_80 = arith.extui %gt3A_79 : i1 to i32
        %cond3A_81 = arith.constant 0 : i32
        %cond3A_82 = arith.cmpi ne, %convert_element_type3A_80, %cond3A_81 : i32
        scf.if %cond3A_82 {
          %dma_wait3A_99 = arith.constant 0 : i32
          %dma_wait3A_100 = arith.constant 0 : i32
          %dma_wait3A_101 = tpu.memref_slice %arg7[%dma_wait3A_99, %dma_wait3A_100] : memref<100000x128xf32, #tpu.memory_space<hbm>> -> memref<128x128xf32, #tpu.memory_space<hbm>>
          %dma_wait3A_102 = arith.constant 0 : i32
          %dma_wait3A_103 = arith.constant 0 : i32
          %dma_wait3A_104 = tpu.memref_slice %arg7[%dma_wait3A_102, %dma_wait3A_103] : memref<100000x128xf32, #tpu.memory_space<hbm>> -> memref<128x128xf32, #tpu.memory_space<hbm>>
          tpu.wait_dma2 semaphore(%arg20 : memref<!tpu.dma_semaphore, #tpu.memory_space<semaphore_mem>>) src(%arg16 : memref<128x128xf32, #tpu.memory_space<vmem>>) dst(%dma_wait3A_104 : memref<128x128xf32, #tpu.memory_space<hbm>>)
        } else {
        }
        %parallel_loop3A = arith.constant 0 : i32
        %parallel_loop3A_83 = arith.constant 128 : i32
        %parallel_loop3A_84 = arith.constant 1 : i32
        scf.for %parallel_loop3A_99 = %parallel_loop3A to %parallel_loop3A_83 step %parallel_loop3A_84  : i32 {
          %parallel_loop3A_100 = arith.index_cast %parallel_loop3A_99 : i32 to index
          %parallel_loop3A_101 = arith.constant 0 : index
          %parallel_loop3A_102 = tpu.vector_load %arg12[%parallel_loop3A_100, %parallel_loop3A_101] {strides = array<i32>} : memref<128x128xf32, #tpu.memory_space<vmem>>, vector<1x16xf32>,
          %parallel_loop3A_103 = vector.shape_cast %parallel_loop3A_102 : vector<1x16xf32> to vector<16xf32>
          %parallel_loop3A_104 = arith.index_cast %parallel_loop3A_99 : i32 to index
          %parallel_loop3A_105 = arith.constant 0 : index
          %parallel_loop3A_106 = tpu.vector_load %arg14[%parallel_loop3A_104, %parallel_loop3A_105] {strides = array<i32>} : memref<128x128xf32, #tpu.memory_space<vmem>>, vector<1x16xf32>,
          %parallel_loop3A_107 = vector.shape_cast %parallel_loop3A_106 : vector<1x16xf32> to vector<16xf32>
          %parallel_loop3A_108 = arith.addf %parallel_loop3A_103, %parallel_loop3A_107 : vector<16xf32>
          %parallel_loop3A_109 = arith.constant 0.000000e+00 : f32
          %parallel_loop3A_110 = vector.broadcast %parallel_loop3A_109 : f32 to vector<16xf32>
          %parallel_loop3A_111 = arith.maximumf %parallel_loop3A_108, %parallel_loop3A_110 : vector<16xf32>
          %parallel_loop3A_112 = arith.index_cast %parallel_loop3A_99 : i32 to index
          %parallel_loop3A_113 = arith.constant 0 : index
          %parallel_loop3A_114 = tpu.vector_load %arg16[%parallel_loop3A_112, %parallel_loop3A_113] {strides = array<i32>} : memref<128x128xf32, #tpu.memory_space<vmem>>, vector<1x16xf32>,
          %parallel_loop3A_115 = vector.shape_cast %parallel_loop3A_114 : vector<1x16xf32> to vector<16xf32>
          %parallel_loop3A_116 = vector.shape_cast %parallel_loop3A_111 : vector<16xf32> to vector<1x16xf32>
          tpu.vector_store %arg16[%parallel_loop3A_112, %parallel_loop3A_113], %parallel_loop3A_116 {strides = array<i32>} : memref<128x128xf32, #tpu.memory_space<vmem>>, vector<1x16xf32>,
          %parallel_loop3A_117 = arith.index_cast %parallel_loop3A_99 : i32 to index
          %parallel_loop3A_118 = arith.constant 16 : index
          %parallel_loop3A_119 = tpu.vector_load %arg12[%parallel_loop3A_117, %parallel_loop3A_118] {strides = array<i32>} : memref<128x128xf32, #tpu.memory_space<vmem>>, vector<1x16xf32>,
          %parallel_loop3A_120 = vector.shape_cast %parallel_loop3A_119 : vector<1x16xf32> to vector<16xf32>
          %parallel_loop3A_121 = arith.index_cast %parallel_loop3A_99 : i32 to index
          %parallel_loop3A_122 = arith.constant 16 : index
          %parallel_loop3A_123 = tpu.vector_load %arg14[%parallel_loop3A_121, %parallel_loop3A_122] {strides = array<i32>} : memref<128x128xf32, #tpu.memory_space<vmem>>, vector<1x16xf32>,
          %parallel_loop3A_124 = vector.shape_cast %parallel_loop3A_123 : vector<1x16xf32> to vector<16xf32>
          %parallel_loop3A_125 = arith.addf %parallel_loop3A_120, %parallel_loop3A_124 : vector<16xf32>
          %parallel_loop3A_126 = arith.constant 0.000000e+00 : f32
          %parallel_loop3A_127 = vector.broadcast %parallel_loop3A_126 : f32 to vector<16xf32>
          %parallel_loop3A_128 = arith.maximumf %parallel_loop3A_125, %parallel_loop3A_127 : vector<16xf32>
          %parallel_loop3A_129 = arith.index_cast %parallel_loop3A_99 : i32 to index
          %parallel_loop3A_130 = arith.constant 16 : index
          %parallel_loop3A_131 = tpu.vector_load %arg16[%parallel_loop3A_129, %parallel_loop3A_130] {strides = array<i32>} : memref<128x128xf32, #tpu.memory_space<vmem>>, vector<1x16xf32>,
          %parallel_loop3A_132 = vector.shape_cast %parallel_loop3A_131 : vector<1x16xf32> to vector<16xf32>
          %parallel_loop3A_133 = vector.shape_cast %parallel_loop3A_128 : vector<16xf32> to vector<1x16xf32>
          tpu.vector_store %arg16[%parallel_loop3A_129, %parallel_loop3A_130], %parallel_loop3A_133 {strides = array<i32>} : memref<128x128xf32, #tpu.memory_space<vmem>>, vector<1x16xf32>,
          %parallel_loop3A_134 = arith.index_cast %parallel_loop3A_99 : i32 to index
          %parallel_loop3A_135 = arith.constant 32 : index
          %parallel_loop3A_136 = tpu.vector_load %arg12[%parallel_loop3A_134, %parallel_loop3A_135] {strides = array<i32>} : memref<128x128xf32, #tpu.memory_space<vmem>>, vector<1x16xf32>,
          %parallel_loop3A_137 = vector.shape_cast %parallel_loop3A_136 : vector<1x16xf32> to vector<16xf32>
          %parallel_loop3A_138 = arith.index_cast %parallel_loop3A_99 : i32 to index
          %parallel_loop3A_139 = arith.constant 32 : index
          %parallel_loop3A_140 = tpu.vector_load %arg14[%parallel_loop3A_138, %parallel_loop3A_139] {strides = array<i32>} : memref<128x128xf32, #tpu.memory_space<vmem>>, vector<1x16xf32>,
          %parallel_loop3A_141 = vector.shape_cast %parallel_loop3A_140 : vector<1x16xf32> to vector<16xf32>
          %parallel_loop3A_142 = arith.addf %parallel_loop3A_137, %parallel_loop3A_141 : vector<16xf32>
          %parallel_loop3A_143 = arith.constant 0.000000e+00 : f32
          %parallel_loop3A_144 = vector.broadcast %parallel_loop3A_143 : f32 to vector<16xf32>
          %parallel_loop3A_145 = arith.maximumf %parallel_loop3A_142, %parallel_loop3A_144 : vector<16xf32>
          %parallel_loop3A_146 = arith.index_cast %parallel_loop3A_99 : i32 to index
          %parallel_loop3A_147 = arith.constant 32 : index
          %parallel_loop3A_148 = tpu.vector_load %arg16[%parallel_loop3A_146, %parallel_loop3A_147] {strides = array<i32>} : memref<128x128xf32, #tpu.memory_space<vmem>>, vector<1x16xf32>,
          %parallel_loop3A_149 = vector.shape_cast %parallel_loop3A_148 : vector<1x16xf32> to vector<16xf32>
          %parallel_loop3A_150 = vector.shape_cast %parallel_loop3A_145 : vector<16xf32> to vector<1x16xf32>
          tpu.vector_store %arg16[%parallel_loop3A_146, %parallel_loop3A_147], %parallel_loop3A_150 {strides = array<i32>} : memref<128x128xf32, #tpu.memory_space<vmem>>, vector<1x16xf32>,
          %parallel_loop3A_151 = arith.index_cast %parallel_loop3A_99 : i32 to index
          %parallel_loop3A_152 = arith.constant 48 : index
          %parallel_loop3A_153 = tpu.vector_load %arg12[%parallel_loop3A_151, %parallel_loop3A_152] {strides = array<i32>} : memref<128x128xf32, #tpu.memory_space<vmem>>, vector<1x16xf32>,
          %parallel_loop3A_154 = vector.shape_cast %parallel_loop3A_153 : vector<1x16xf32> to vector<16xf32>
          %parallel_loop3A_155 = arith.index_cast %parallel_loop3A_99 : i32 to index
          %parallel_loop3A_156 = arith.constant 48 : index
          %parallel_loop3A_157 = tpu.vector_load %arg14[%parallel_loop3A_155, %parallel_loop3A_156] {strides = array<i32>} : memref<128x128xf32, #tpu.memory_space<vmem>>, vector<1x16xf32>,
          %parallel_loop3A_158 = vector.shape_cast %parallel_loop3A_157 : vector<1x16xf32> to vector<16xf32>
          %parallel_loop3A_159 = arith.addf %parallel_loop3A_154, %parallel_loop3A_158 : vector<16xf32>
          %parallel_loop3A_160 = arith.constant 0.000000e+00 : f32
          %parallel_loop3A_161 = vector.broadcast %parallel_loop3A_160 : f32 to vector<16xf32>
          %parallel_loop3A_162 = arith.maximumf %parallel_loop3A_159, %parallel_loop3A_161 : vector<16xf32>
          %parallel_loop3A_163 = arith.index_cast %parallel_loop3A_99 : i32 to index
          %parallel_loop3A_164 = arith.constant 48 : index
          %parallel_loop3A_165 = tpu.vector_load %arg16[%parallel_loop3A_163, %parallel_loop3A_164] {strides = array<i32>} : memref<128x128xf32, #tpu.memory_space<vmem>>, vector<1x16xf32>,
          %parallel_loop3A_166 = vector.shape_cast %parallel_loop3A_165 : vector<1x16xf32> to vector<16xf32>
          %parallel_loop3A_167 = vector.shape_cast %parallel_loop3A_162 : vector<16xf32> to vector<1x16xf32>
          tpu.vector_store %arg16[%parallel_loop3A_163, %parallel_loop3A_164], %parallel_loop3A_167 {strides = array<i32>} : memref<128x128xf32, #tpu.memory_space<vmem>>, vector<1x16xf32>,
          %parallel_loop3A_168 = arith.index_cast %parallel_loop3A_99 : i32 to index
          %parallel_loop3A_169 = arith.constant 64 : index
          %parallel_loop3A_170 = tpu.vector_load %arg12[%parallel_loop3A_168, %parallel_loop3A_169] {strides = array<i32>} : memref<128x128xf32, #tpu.memory_space<vmem>>, vector<1x16xf32>,
          %parallel_loop3A_171 = vector.shape_cast %parallel_loop3A_170 : vector<1x16xf32> to vector<16xf32>
          %parallel_loop3A_172 = arith.index_cast %parallel_loop3A_99 : i32 to index
          %parallel_loop3A_173 = arith.constant 64 : index
          %parallel_loop3A_174 = tpu.vector_load %arg14[%parallel_loop3A_172, %parallel_loop3A_173] {strides = array<i32>} : memref<128x128xf32, #tpu.memory_space<vmem>>, vector<1x16xf32>,
          %parallel_loop3A_175 = vector.shape_cast %parallel_loop3A_174 : vector<1x16xf32> to vector<16xf32>
          %parallel_loop3A_176 = arith.addf %parallel_loop3A_171, %parallel_loop3A_175 : vector<16xf32>
          %parallel_loop3A_177 = arith.constant 0.000000e+00 : f32
          %parallel_loop3A_178 = vector.broadcast %parallel_loop3A_177 : f32 to vector<16xf32>
          %parallel_loop3A_179 = arith.maximumf %parallel_loop3A_176, %parallel_loop3A_178 : vector<16xf32>
          %parallel_loop3A_180 = arith.index_cast %parallel_loop3A_99 : i32 to index
          %parallel_loop3A_181 = arith.constant 64 : index
          %parallel_loop3A_182 = tpu.vector_load %arg16[%parallel_loop3A_180, %parallel_loop3A_181] {strides = array<i32>} : memref<128x128xf32, #tpu.memory_space<vmem>>, vector<1x16xf32>,
          %parallel_loop3A_183 = vector.shape_cast %parallel_loop3A_182 : vector<1x16xf32> to vector<16xf32>
          %parallel_loop3A_184 = vector.shape_cast %parallel_loop3A_179 : vector<16xf32> to vector<1x16xf32>
          tpu.vector_store %arg16[%parallel_loop3A_180, %parallel_loop3A_181], %parallel_loop3A_184 {strides = array<i32>} : memref<128x128xf32, #tpu.memory_space<vmem>>, vector<1x16xf32>,
          %parallel_loop3A_185 = arith.index_cast %parallel_loop3A_99 : i32 to index
          %parallel_loop3A_186 = arith.constant 80 : index
          %parallel_loop3A_187 = tpu.vector_load %arg12[%parallel_loop3A_185, %parallel_loop3A_186] {strides = array<i32>} : memref<128x128xf32, #tpu.memory_space<vmem>>, vector<1x16xf32>,
          %parallel_loop3A_188 = vector.shape_cast %parallel_loop3A_187 : vector<1x16xf32> to vector<16xf32>
          %parallel_loop3A_189 = arith.index_cast %parallel_loop3A_99 : i32 to index
          %parallel_loop3A_190 = arith.constant 80 : index
          %parallel_loop3A_191 = tpu.vector_load %arg14[%parallel_loop3A_189, %parallel_loop3A_190] {strides = array<i32>} : memref<128x128xf32, #tpu.memory_space<vmem>>, vector<1x16xf32>,
          %parallel_loop3A_192 = vector.shape_cast %parallel_loop3A_191 : vector<1x16xf32> to vector<16xf32>
          %parallel_loop3A_193 = arith.addf %parallel_loop3A_188, %parallel_loop3A_192 : vector<16xf32>
          %parallel_loop3A_194 = arith.constant 0.000000e+00 : f32
          %parallel_loop3A_195 = vector.broadcast %parallel_loop3A_194 : f32 to vector<16xf32>
          %parallel_loop3A_196 = arith.maximumf %parallel_loop3A_193, %parallel_loop3A_195 : vector<16xf32>
          %parallel_loop3A_197 = arith.index_cast %parallel_loop3A_99 : i32 to index
          %parallel_loop3A_198 = arith.constant 80 : index
          %parallel_loop3A_199 = tpu.vector_load %arg16[%parallel_loop3A_197, %parallel_loop3A_198] {strides = array<i32>} : memref<128x128xf32, #tpu.memory_space<vmem>>, vector<1x16xf32>,
          %parallel_loop3A_200 = vector.shape_cast %parallel_loop3A_199 : vector<1x16xf32> to vector<16xf32>
          %parallel_loop3A_201 = vector.shape_cast %parallel_loop3A_196 : vector<16xf32> to vector<1x16xf32>
          tpu.vector_store %arg16[%parallel_loop3A_197, %parallel_loop3A_198], %parallel_loop3A_201 {strides = array<i32>} : memref<128x128xf32, #tpu.memory_space<vmem>>, vector<1x16xf32>,
          %parallel_loop3A_202 = arith.index_cast %parallel_loop3A_99 : i32 to index
          %parallel_loop3A_203 = arith.constant 96 : index
          %parallel_loop3A_204 = tpu.vector_load %arg12[%parallel_loop3A_202, %parallel_loop3A_203] {strides = array<i32>} : memref<128x128xf32, #tpu.memory_space<vmem>>, vector<1x16xf32>,
          %parallel_loop3A_205 = vector.shape_cast %parallel_loop3A_204 : vector<1x16xf32> to vector<16xf32>
          %parallel_loop3A_206 = arith.index_cast %parallel_loop3A_99 : i32 to index
          %parallel_loop3A_207 = arith.constant 96 : index
          %parallel_loop3A_208 = tpu.vector_load %arg14[%parallel_loop3A_206, %parallel_loop3A_207] {strides = array<i32>} : memref<128x128xf32, #tpu.memory_space<vmem>>, vector<1x16xf32>,
          %parallel_loop3A_209 = vector.shape_cast %parallel_loop3A_208 : vector<1x16xf32> to vector<16xf32>
          %parallel_loop3A_210 = arith.addf %parallel_loop3A_205, %parallel_loop3A_209 : vector<16xf32>
          %parallel_loop3A_211 = arith.constant 0.000000e+00 : f32
          %parallel_loop3A_212 = vector.broadcast %parallel_loop3A_211 : f32 to vector<16xf32>
          %parallel_loop3A_213 = arith.maximumf %parallel_loop3A_210, %parallel_loop3A_212 : vector<16xf32>
          %parallel_loop3A_214 = arith.index_cast %parallel_loop3A_99 : i32 to index
          %parallel_loop3A_215 = arith.constant 96 : index
          %parallel_loop3A_216 = tpu.vector_load %arg16[%parallel_loop3A_214, %parallel_loop3A_215] {strides = array<i32>} : memref<128x128xf32, #tpu.memory_space<vmem>>, vector<1x16xf32>,
          %parallel_loop3A_217 = vector.shape_cast %parallel_loop3A_216 : vector<1x16xf32> to vector<16xf32>
          %parallel_loop3A_218 = vector.shape_cast %parallel_loop3A_213 : vector<16xf32> to vector<1x16xf32>
          tpu.vector_store %arg16[%parallel_loop3A_214, %parallel_loop3A_215], %parallel_loop3A_218 {strides = array<i32>} : memref<128x128xf32, #tpu.memory_space<vmem>>, vector<1x16xf32>,
          %parallel_loop3A_219 = arith.index_cast %parallel_loop3A_99 : i32 to index
          %parallel_loop3A_220 = arith.constant 112 : index
          %parallel_loop3A_221 = tpu.vector_load %arg12[%parallel_loop3A_219, %parallel_loop3A_220] {strides = array<i32>} : memref<128x128xf32, #tpu.memory_space<vmem>>, vector<1x16xf32>,
          %parallel_loop3A_222 = vector.shape_cast %parallel_loop3A_221 : vector<1x16xf32> to vector<16xf32>
          %parallel_loop3A_223 = arith.index_cast %parallel_loop3A_99 : i32 to index
          %parallel_loop3A_224 = arith.constant 112 : index
          %parallel_loop3A_225 = tpu.vector_load %arg14[%parallel_loop3A_223, %parallel_loop3A_224] {strides = array<i32>} : memref<128x128xf32, #tpu.memory_space<vmem>>, vector<1x16xf32>,
          %parallel_loop3A_226 = vector.shape_cast %parallel_loop3A_225 : vector<1x16xf32> to vector<16xf32>
          %parallel_loop3A_227 = arith.addf %parallel_loop3A_222, %parallel_loop3A_226 : vector<16xf32>
          %parallel_loop3A_228 = arith.constant 0.000000e+00 : f32
          %parallel_loop3A_229 = vector.broadcast %parallel_loop3A_228 : f32 to vector<16xf32>
          %parallel_loop3A_230 = arith.maximumf %parallel_loop3A_227, %parallel_loop3A_229 : vector<16xf32>
          %parallel_loop3A_231 = arith.index_cast %parallel_loop3A_99 : i32 to index
          %parallel_loop3A_232 = arith.constant 112 : index
          %parallel_loop3A_233 = tpu.vector_load %arg16[%parallel_loop3A_231, %parallel_loop3A_232] {strides = array<i32>} : memref<128x128xf32, #tpu.memory_space<vmem>>, vector<1x16xf32>,
          %parallel_loop3A_234 = vector.shape_cast %parallel_loop3A_233 : vector<1x16xf32> to vector<16xf32>
          %parallel_loop3A_235 = vector.shape_cast %parallel_loop3A_230 : vector<16xf32> to vector<1x16xf32>
          tpu.vector_store %arg16[%parallel_loop3A_231, %parallel_loop3A_232], %parallel_loop3A_235 {strides = array<i32>} : memref<128x128xf32, #tpu.memory_space<vmem>>, vector<1x16xf32>,
        } {sc.loop_unroll_factor = 2 : i64, sc.parallel_access}
        %mul3A_85 = arith.constant 128 : i32
        %mul3A_86 = arith.muli %add3A_61, %mul3A_85 : i32
        %add3A_87 = arith.addi %min3A_3, %mul3A_86 : i32
        %dma_start3A_88 = arith.constant 0 : i32
        %dma_start3A_89 = tpu.memref_slice %arg7[%add3A_87, %dma_start3A_88] : memref<100000x128xf32, #tpu.memory_space<hbm>> -> memref<128x128xf32, #tpu.memory_space<hbm>>
        %dma_start3A_90 = arith.constant 0 : i32
        %dma_start3A_91 = tpu.memref_slice %arg7[%add3A_87, %dma_start3A_90] : memref<100000x128xf32, #tpu.memory_space<hbm>> -> memref<128x128xf32, #tpu.memory_space<hbm>>
        tpu.enqueue_dma source(%arg16 : memref<128x128xf32, #tpu.memory_space<vmem>>) target(%dma_start3A_91 : memref<128x128xf32, #tpu.memory_space<hbm>>) target_semaphore(%arg20 : memref<!tpu.dma_semaphore, #tpu.memory_space<semaphore_mem>>)
        %add3A_92 = arith.constant 2 : i32
        %add3A_93 = arith.addi %add3A_61, %add3A_92 : i32
        %lt3A_94 = arith.constant 25 : i32
        %lt3A_95 = arith.cmpi slt, %add3A_93, %lt3A_94 : i32
        %convert_element_type3A_96 = arith.extui %lt3A_95 : i1 to i32
        %cond3A_97 = arith.constant 0 : i32
        %cond3A_98 = arith.cmpi ne, %convert_element_type3A_96, %cond3A_97 : i32
        scf.if %cond3A_98 {
          %add3A_99 = arith.constant 2 : i32
          %add3A_100 = arith.addi %add3A_61, %add3A_99 : i32
          %dma_start3A_101 = arith.constant 0 : i32
          %dma_start3A_102 = tpu.memref_slice %arg8[%add3A_100, %dma_start3A_101] : memref<25x128xi32, #tpu.memory_space<vmem>> -> memref<1x128xi32, #tpu.memory_space<vmem>>
          %dma_start3A_103 = tpu.memref_squeeze %dma_start3A_102 : memref<1x128xi32, #tpu.memory_space<vmem>> -> memref<128xi32, #tpu.memory_space<vmem>>
          %dma_start3A_104 = arith.constant 0 : i32
          %dma_start3A_105 = arith.constant 0 : i32
          %dma_start3A_106 = tpu.memref_slice %arg2[%dma_start3A_104, %dma_start3A_105] : memref<102400x128xf32, #tpu.memory_space<hbm>> -> memref<102400x128xf32, #tpu.memory_space<hbm>>
          tpu.enqueue_indirect_dma source(%dma_start3A_106 : memref<102400x128xf32, #tpu.memory_space<hbm>>) target(%arg12 : memref<128x128xf32, #tpu.memory_space<vmem>>) offsets(%dma_start3A_103 : memref<128xi32, #tpu.memory_space<vmem>>) semaphore(%arg18 : memref<!tpu.dma_semaphore, #tpu.memory_space<semaphore_mem>>)
          %dma_start3A_107 = arith.constant 0 : i32
          %dma_start3A_108 = tpu.memref_slice %arg9[%add3A_100, %dma_start3A_107] : memref<25x128xi32, #tpu.memory_space<vmem>> -> memref<1x128xi32, #tpu.memory_space<vmem>>
          %dma_start3A_109 = tpu.memref_squeeze %dma_start3A_108 : memref<1x128xi32, #tpu.memory_space<vmem>> -> memref<128xi32, #tpu.memory_space<vmem>>
          %dma_start3A_110 = arith.constant 0 : i32
          %dma_start3A_111 = arith.constant 0 : i32
          %dma_start3A_112 = tpu.memref_slice %arg3[%dma_start3A_110, %dma_start3A_111] : memref<102400x128xf32, #tpu.memory_space<hbm>> -> memref<102400x128xf32, #tpu.memory_space<hbm>>
          tpu.enqueue_indirect_dma source(%dma_start3A_112 : memref<102400x128xf32, #tpu.memory_space<hbm>>) target(%arg14 : memref<128x128xf32, #tpu.memory_space<vmem>>) offsets(%dma_start3A_109 : memref<128xi32, #tpu.memory_space<vmem>>) semaphore(%arg18 : memref<!tpu.dma_semaphore, #tpu.memory_space<semaphore_mem>>)
        } else {
        }
      } else {
      }
    }
    %scan3A_39 = arith.constant 13 : i32
    %dma_wait3A = arith.constant 0 : i32
    %dma_wait3A_40 = arith.constant 0 : i32
    %dma_wait3A_41 = tpu.memref_slice %arg7[%dma_wait3A, %dma_wait3A_40] : memref<100000x128xf32, #tpu.memory_space<hbm>> -> memref<128x128xf32, #tpu.memory_space<hbm>>
    %dma_wait3A_42 = arith.constant 0 : i32
    %dma_wait3A_43 = arith.constant 0 : i32
    %dma_wait3A_44 = tpu.memref_slice %arg7[%dma_wait3A_42, %dma_wait3A_43] : memref<100000x128xf32, #tpu.memory_space<hbm>> -> memref<128x128xf32, #tpu.memory_space<hbm>>
    tpu.wait_dma2 semaphore(%arg19 : memref<!tpu.dma_semaphore, #tpu.memory_space<semaphore_mem>>) src(%arg15 : memref<128x128xf32, #tpu.memory_space<vmem>>) dst(%dma_wait3A_44 : memref<128x128xf32, #tpu.memory_space<hbm>>)
    %dma_wait3A_45 = arith.constant 0 : i32
    %dma_wait3A_46 = arith.constant 0 : i32
    %dma_wait3A_47 = tpu.memref_slice %arg7[%dma_wait3A_45, %dma_wait3A_46] : memref<100000x128xf32, #tpu.memory_space<hbm>> -> memref<128x128xf32, #tpu.memory_space<hbm>>
    %dma_wait3A_48 = arith.constant 0 : i32
    %dma_wait3A_49 = arith.constant 0 : i32
    %dma_wait3A_50 = tpu.memref_slice %arg7[%dma_wait3A_48, %dma_wait3A_49] : memref<100000x128xf32, #tpu.memory_space<hbm>> -> memref<128x128xf32, #tpu.memory_space<hbm>>
    tpu.wait_dma2 semaphore(%arg20 : memref<!tpu.dma_semaphore, #tpu.memory_space<semaphore_mem>>) src(%arg16 : memref<128x128xf32, #tpu.memory_space<vmem>>) dst(%dma_wait3A_50 : memref<128x128xf32, #tpu.memory_space<hbm>>)
    return
  }
}

module attributes {stable_mosaic.version = 14 : i64} {
  func.func @_mm_body(%arg0: i32, %arg1: memref<800x128xf32, #tpu.memory_space<vmem>>, %arg2: memref<128x128xbf16, #tpu.memory_space<vmem>>, %arg3: memref<128x128xbf16, #tpu.memory_space<vmem>>, %arg4: memref<1x128xf32, #tpu.memory_space<vmem>>, %arg5: memref<800x128xf32, #tpu.memory_space<vmem>>, %arg6: memref<800x128xf32, #tpu.memory_space<vmem>>) attributes {dimension_semantics = [#tpu.dimension_semantics<arbitrary>], iteration_bounds = array<i64: 128>, scalar_prefetch = 0 : i64, scratch_operands = 0 : i64, tpu.core_type = #tpu.core_type<tc>, window_params = [{transform_indices = @transform_0, window_bounds = array<i64: 800, 128>}, {pipeline_mode = #tpu.pipeline_mode<synchronous>, transform_indices = @transform_1, window_bounds = array<i64: 128, 128>}, {pipeline_mode = #tpu.pipeline_mode<synchronous>, transform_indices = @transform_2, window_bounds = array<i64: 128, 128>}, {pipeline_mode = #tpu.pipeline_mode<synchronous>, transform_indices = @transform_3, window_bounds = array<i64: 1, 128>}, {transform_indices = @transform_4, window_bounds = array<i64: 800, 128>}, {transform_indices = @transform_5, window_bounds = array<i64: 800, 128>}]} {
    %lt3A = arith.constant 125 : i32
    %lt3A_0 = arith.cmpi slt, %arg0, %lt3A : i32
    %convert_element_type3A = arith.extui %lt3A_0 : i1 to i32
    %cond3A = arith.constant 0 : i32
    %cond3A_1 = arith.cmpi ne, %convert_element_type3A, %cond3A : i32
    scf.if %cond3A_1 {
      %get3A = arith.constant 0 : index
      %get3A_6 = arith.constant 0 : index
      %get3A_7 = vector.load %arg1[%get3A, %get3A_6] : memref<800x128xf32, #tpu.memory_space<vmem>>, vector<800x128xf32>
      %convert_element_type3A_8 = arith.truncf %get3A_7 : vector<800x128xf32> to vector<800x128xbf16>
      %get3A_9 = arith.constant 0 : index
      %get3A_10 = arith.constant 0 : index
      %get3A_11 = vector.load %arg2[%get3A_9, %get3A_10] : memref<128x128xbf16, #tpu.memory_space<vmem>>, vector<128x128xbf16>
      %dot_general3A = arith.constant dense<0.000000e+00> : vector<800x128xf32>
      %dot_general3A_12 = tpu.matmul %convert_element_type3A_8, %get3A_11, %dot_general3A {dimension_numbers = #tpu.dot_dimension_numbers<[1], [1], [0], [0], [0, 0, 1, 0], [], []>, transpose_lhs_hint = false} : vector<800x128xbf16>, vector<128x128xbf16>, vector<800x128xf32> -> vector<800x128xf32>
      %get3A_13 = arith.constant 0 : index
      %get3A_14 = arith.constant 0 : index
      %get3A_15 = vector.load %arg4[%get3A_13, %get3A_14] : memref<1x128xf32, #tpu.memory_space<vmem>>, vector<1x128xf32>
      %add3A = vector.broadcast %get3A_15 : vector<1x128xf32> to vector<800x128xf32>
      %add3A_16 = arith.addf %dot_general3A_12, %add3A : vector<800x128xf32>
      %swap3A = arith.constant 0 : index
      %swap3A_17 = arith.constant 0 : index
      %swap3A_18 = vector.load %arg5[%swap3A, %swap3A_17] : memref<800x128xf32, #tpu.memory_space<vmem>>, vector<800x128xf32>
      tpu.vector_store %arg5[%swap3A, %swap3A_17], %add3A_16 {strides = array<i32>} : memref<800x128xf32, #tpu.memory_space<vmem>>, vector<800x128xf32>,
      %get3A_19 = arith.constant 0 : index
      %get3A_20 = arith.constant 0 : index
      %get3A_21 = vector.load %arg3[%get3A_19, %get3A_20] : memref<128x128xbf16, #tpu.memory_space<vmem>>, vector<128x128xbf16>
      %dot_general3A_22 = arith.constant dense<0.000000e+00> : vector<800x128xf32>
      %dot_general3A_23 = tpu.matmul %convert_element_type3A_8, %get3A_21, %dot_general3A_22 {dimension_numbers = #tpu.dot_dimension_numbers<[1], [1], [0], [0], [0, 0, 1, 0], [], []>, transpose_lhs_hint = false} : vector<800x128xbf16>, vector<128x128xbf16>, vector<800x128xf32> -> vector<800x128xf32>
      %swap3A_24 = arith.constant 0 : index
      %swap3A_25 = arith.constant 0 : index
      %swap3A_26 = vector.load %arg6[%swap3A_24, %swap3A_25] : memref<800x128xf32, #tpu.memory_space<vmem>>, vector<800x128xf32>
      tpu.vector_store %arg6[%swap3A_24, %swap3A_25], %dot_general3A_23 {strides = array<i32>} : memref<800x128xf32, #tpu.memory_space<vmem>>, vector<800x128xf32>,
    } else {
    }
    %ge3A = arith.constant 125 : i32
    %ge3A_2 = arith.cmpi sge, %arg0, %ge3A : i32
    %convert_element_type3A_3 = arith.extui %ge3A_2 : i1 to i32
    %cond3A_4 = arith.constant 0 : i32
    %cond3A_5 = arith.cmpi ne, %convert_element_type3A_3, %cond3A_4 : i32
    scf.if %cond3A_5 {
      %broadcast_in_dim3A = arith.constant 0.000000e+00 : f32
      %broadcast_in_dim3A_6 = vector.broadcast %broadcast_in_dim3A : f32 to vector<800x128xf32>
      %swap3A = arith.constant 0 : index
      %swap3A_7 = arith.constant 0 : index
      %swap3A_8 = vector.load %arg5[%swap3A, %swap3A_7] : memref<800x128xf32, #tpu.memory_space<vmem>>, vector<800x128xf32>
      tpu.vector_store %arg5[%swap3A, %swap3A_7], %broadcast_in_dim3A_6 {strides = array<i32>} : memref<800x128xf32, #tpu.memory_space<vmem>>, vector<800x128xf32>,
      %broadcast_in_dim3A_9 = arith.constant 0.000000e+00 : f32
      %broadcast_in_dim3A_10 = vector.broadcast %broadcast_in_dim3A_9 : f32 to vector<800x128xf32>
      %swap3A_11 = arith.constant 0 : index
      %swap3A_12 = arith.constant 0 : index
      %swap3A_13 = vector.load %arg6[%swap3A_11, %swap3A_12] : memref<800x128xf32, #tpu.memory_space<vmem>>, vector<800x128xf32>
      tpu.vector_store %arg6[%swap3A_11, %swap3A_12], %broadcast_in_dim3A_10 {strides = array<i32>} : memref<800x128xf32, #tpu.memory_space<vmem>>, vector<800x128xf32>,
    } else {
    }
    return
  }
  func.func @transform_0(%arg0: i32) -> (i32, i32) {
    %min3A = arith.constant 124 : i32
    %min3A_0 = arith.minsi %arg0, %min3A : i32
    %c0_i32 = arith.constant 0 : i32
    %c0_i32_1 = arith.constant 0 : i32
    return %min3A_0, %c0_i32 : i32, i32
  }
  func.func @transform_1(%arg0: i32) -> (i32, i32) {
    %c0_i32 = arith.constant 0 : i32
    %c0_i32_0 = arith.constant 0 : i32
    %c0_i32_1 = arith.constant 0 : i32
    return %c0_i32, %c0_i32_0 : i32, i32
  }
  func.func @transform_2(%arg0: i32) -> (i32, i32) {
    %c0_i32 = arith.constant 0 : i32
    %c0_i32_0 = arith.constant 0 : i32
    %c0_i32_1 = arith.constant 0 : i32
    return %c0_i32, %c0_i32_0 : i32, i32
  }
  func.func @transform_3(%arg0: i32) -> (i32, i32) {
    %c0_i32 = arith.constant 0 : i32
    %c0_i32_0 = arith.constant 0 : i32
    %c0_i32_1 = arith.constant 0 : i32
    return %c0_i32, %c0_i32_0 : i32, i32
  }
  func.func @transform_4(%arg0: i32) -> (i32, i32) {
    %c0_i32 = arith.constant 0 : i32
    %c0_i32_0 = arith.constant 0 : i32
    return %arg0, %c0_i32 : i32, i32
  }
  func.func @transform_5(%arg0: i32) -> (i32, i32) {
    %c0_i32 = arith.constant 0 : i32
    %c0_i32_0 = arith.constant 0 : i32
    return %arg0, %c0_i32 : i32, i32
  }
}

</mosaic_0001>

<sc_bundles>
// kernel: kernel.4.cloned.1.call-start
scs
__scs_entry_jumppad:
0x0: {  	(pc) =	sbr.rel $0x88, $3  }
0x1: {  	(tag) =	ssettag $0x0;
	lr =	simm.s32 $0x1  }
0x2: {  	[smem:$0x3F9B] =	sst lr;
	_ =	strace $0xD0000000  }
0x3: {  	_ = 	snop  }
0x4: {  	_ = 	snop  }
0x5: {  	_ = 	snop  }
0x6: {  	_ = 	snop  }
0x7: {  	_ = 	snop  }
__scs_overlays_trampoline_lowered:
0x8: {  	[smem:$0x3FAA] =	sst s0  }
0x9: {  	[smem:$0x3FAB] =	sst s1  }
0xa: {  	[smem:$0x3FAC] =	sst s2  }
0xb: {  	[smem:$0x3FAD] =	sst s3  }
0xc: {  	[smem:$0x3FAE] =	sst s4  }
0xd: {  	[smem:$0x3FAF] =	sst s5  }
0xe: {  	[smem:$0x3FB0] =	sst s6  }
0xf: {  	[smem:$0x3FB1] =	sst s7  }
0x10: {  	[smem:$0x3FB2] =	sst s8  }
0x11: {  	[smem:$0x3FB3] =	sst s9;
	s0 =	simm.s32 @!p0 $0x0  }
0x12: {  	s1 =	sld [smem:$0x3F99];
	s0 =	simm.s32 @p0 $0x1  }
0x13: {  	[smem:$0x3FB4] =	sst s0;
	s0 =	simm.s32 @!p1 $0x0  }
0x14: {  	s2 =	sld [smem:$0x3F98];
	s0 =	simm.s32 @p1 $0x1  }
0x15: {  	[smem:$0x3FB5] =	sst s0;
	s0 =	simm.s32 @!p2 $0x0  }
0x16: {  	s3 =	sld [smem:$0x3FDB];
	s0 =	simm.s32 @p2 $0x1  }
0x17: {  	s4 =	simm.s32 $0x1BF5;
	[smem:$0x3FB7] =	sst s0  }
0x18: {  	s0 =	sld [smem:$0x3F9A];
	_ =	swait.ge [sflag:s4], $0x0  }
0x19: {  	s7 =	sld [smem:$0x3F9B]  }
0x1a: {  	s8 =	sadd.s32 $0xFFFFE003, lr  }
0x1b: {  	s9 =	sadd.s32 $0xFFFFFEF7, lr;
	s5 =	simm.s32 $0xFFFFFFFF;
	p2 =	slt.u32 s8, $0xFFFFF086  }
0x1c: {  	p1 =	slt.u32 s9, $0xF7A;
	s5 =	simm.s32 @!p2 $0x0  }
0x1d: {  	s5 =	simm.s32 @p1 $0x1;
	p0 =	seq.s32 s7, s2  }
0x1e: {  	s7 =	smul.u32 @!p0 $0xF7A, s2;
	p2 =	seq.s32 @!p0 s5, $0x0  }
0x1f: {  	s9 =	smul.u32 $0xF7A, s1;
	s8 =	simm.s32 @!p0 $0x1BF5;
	p2 =	por !p2, p0  }
0x20: {  	[sflag:s8] =	ssyncset.s32 @!p0 $0xFFFFF086;
	s6 =	sadd.s32 @!p0 s3, s7;
	s7 =	simm.s32 @!p0 $0x108  }
0x21: {  	s3 =	sadd.s32 s3, s9;
	s6 =	sadd.s32 @!p0 $0x88, s6;
	s7 =	simm.s32 @p2 $0x1082  }
0x22: {  	[simem:s7], [sflag:s8] =	dma.local @!p0 [hbm:s6], $0xF7A  }
0x23: {  	s9 =	sor.u32 $0xD0000000, s2;
	s6 =	simm.s32 $0x108;
	_ =	swait.ge @!p0 [sflag:s8], $0x0  }
0x24: {  	s3 =	sadd.s32 $0x88, s3;
	s6 =	simm.s32 @!p1 $0x1082;
	[sflag:s4] =	ssyncset.s32 $0xFFFFF086  }
0x25: {  	[simem:s6], [sflag:s4] =	dma.local [hbm:s3], $0xF7A  }
0x26: {  	[smem:$0x3F9B] =	sst s1;
	(tag) =	ssettag s2;
	_ =	strace s9  }
0x27: {  	s1 =	sld [smem:$0x3FAB]  }
0x28: {  	s2 =	sld [smem:$0x3FAC]  }
0x29: {  	s4 =	sld [smem:$0x3FAE]  }
0x2a: {  	p0 =	seq.s32 s5, $0x0;
	s5 =	sld [smem:$0x3FAF]  }
0x2b: {  	s6 =	sld [smem:$0x3FB0]  }
0x2c: {  	s7 =	sld [smem:$0x3FB1]  }
0x2d: {  	s3 =	simm.s32 $0x108;
	s8 =	sld [smem:$0x3FB2]  }
0x2e: {  	s3 =	simm.s32 @!p0 $0x1082;
	s9 =	sld [smem:$0x3FB3]  }
0x2f: {  	lr =	sadd.s32 s0, s3;
	s0 =	sld [smem:$0x3FAA]  }
0x30: {  	s3 =	sld [smem:$0x3FAD]  }
0x31: {  	[smem:$0x3FB6] =	sst s10  }
0x32: {  	s10 =	sld [smem:$0x3FB4];
	_ =	sdelay $0x3  }
0x33: {  	p0 =	seq.s32 s10, $0x1;
	s10 =	sld [smem:$0x3FB6];
	_ =	sdelay $0x3  }
0x34: {  	[smem:$0x3FB6] =	sst s10  }
0x35: {  	s10 =	sld [smem:$0x3FB5];
	_ =	sdelay $0x3  }
0x36: {  	p1 =	seq.s32 s10, $0x1;
	s10 =	sld [smem:$0x3FB6];
	_ =	sdelay $0x3  }
0x37: {  	[smem:$0x3FB6] =	sst s10  }
0x38: {  	s10 =	sld [smem:$0x3FB7]  }
0x39: {  	_ = 	snop;
	(pc) =	sbr.ind lr, $3  }
0x3a: {  	_ = 	snop  }
0x3b: {  	_ = 	snop  }
0x3c: {  	p2 =	seq.s32 s10, $0x1;
	s10 =	sld [smem:$0x3FB6]  }
0x3d: {  	_ =	shalt  }
0x3e: {  	_ =	shalt  }
0x3f: {  	_ =	shalt  }
0x40: {  	_ =	shalt  }
0x41: {  	_ =	shalt  }
0x42: {  	_ =	shalt  }
0x43: {  	_ =	shalt  }
0x44: {  	_ =	shalt  }
0x45: {  	_ =	shalt  }
0x46: {  	_ =	shalt  }
0x47: {  	_ =	shalt  }
0x48: {  	_ =	shalt  }
0x49: {  	_ =	shalt  }
0x4a: {  	_ =	shalt  }
0x4b: {  	_ =	shalt  }
0x4c: {  	_ =	shalt  }
0x4d: {  	_ =	shalt  }
0x4e: {  	_ =	shalt  }
0x4f: {  	_ =	shalt  }
0x50: {  	_ =	shalt  }
0x51: {  	_ =	shalt  }
0x52: {  	_ =	shalt  }
0x53: {  	_ =	shalt  }
0x54: {  	_ =	shalt  }
0x55: {  	_ =	shalt  }
0x56: {  	_ =	shalt  }
0x57: {  	_ =	shalt  }
0x58: {  	_ =	shalt  }
0x59: {  	_ =	shalt  }
0x5a: {  	_ =	shalt  }
0x5b: {  	_ =	shalt  }
0x5c: {  	_ =	shalt  }
0x5d: {  	_ =	shalt  }
0x5e: {  	_ =	shalt  }
0x5f: {  	_ =	shalt  }
0x60: {  	_ =	shalt  }
0x61: {  	_ =	shalt  }
0x62: {  	_ =	shalt  }
0x63: {  	_ =	shalt  }
0x64: {  	_ =	shalt  }
0x65: {  	_ =	shalt  }
0x66: {  	_ =	shalt  }
0x67: {  	_ =	shalt  }
0x68: {  	_ =	shalt  }
0x69: {  	_ =	shalt  }
0x6a: {  	_ =	shalt  }
0x6b: {  	_ =	shalt  }
0x6c: {  	_ =	shalt  }
0x6d: {  	_ =	shalt  }
0x6e: {  	_ =	shalt  }
0x6f: {  	_ =	shalt  }
0x70: {  	_ =	shalt  }
0x71: {  	_ =	shalt  }
0x72: {  	_ =	shalt  }
0x73: {  	_ =	shalt  }
0x74: {  	_ =	shalt  }
0x75: {  	_ =	shalt  }
0x76: {  	_ =	shalt  }
0x77: {  	_ =	shalt  }
0x78: {  	_ =	shalt  }
0x79: {  	_ =	shalt  }
0x7a: {  	_ =	shalt  }
0x7b: {  	_ =	shalt  }
0x7c: {  	_ =	shalt  }
0x7d: {  	_ =	shalt  }
0x7e: {  	_ =	shalt  }
0x7f: {  	_ =	shalt  }
0x80: {  	_ =	shalt  }
0x81: {  	_ =	shalt  }
0x82: {  	_ =	shalt  }
0x83: {  	_ =	shalt  }
0x84: {  	_ =	shalt  }
0x85: {  	_ =	shalt  }
0x86: {  	_ =	shalt  }
0x87: {  	_ =	shalt  }
.Lfunc_end0:
.L_simem_size_0:
called_computation_lowered:
.L_overlay_start_0:
0x88: {  	s2 =	sld [smem:$0x3FD9]  }
0x89: {  	s3 =	sld [smem:$0x3FFE];
	_ =	sdelay $0x1  }
0x8a: {  	s1 =	srdreg.scid  }
0x8b: {  	s0 =	sand.u32 $0x1, s1  }
0x8c: {  	s17 =	sshll.u32 s0, $0xA;
	s2 =	sadd.s32 s3, s2  }
0x8d: {  	s2 =	sadd.s32 s2, s17  }
0x8e: {  	[smem:$0x3FC2] =	sst s2  }
0x8f: {  	_ = 	snop  }
0x90: {  	s2 =	sld [smem:$0x3FD0];
	(tm) =	ssettm $0x1  }
0x91: {  	s18 =	sld [smem:$0x3FFB];
	_ =	sdelay $0x3  }
0x92: {  	_ =	strace s18  }
0x93: {  	s3 =	sld [smem:$0x3FFC];
	_ =	sdelay $0x3  }
0x94: {  	_ =	strace s3  }
0x95: {  	s3 =	sld [smem:$0x3FFD];
	_ =	sdelay $0x3  }
0x96: {  	_ =	strace s3  }
0x97: {  	_ =	strace $0x8FFFFFFF  }
0x98: {  	s19 =	sld [smem:$0x3FDB];
	_ =	sdelay $0x1  }
0x99: {  	s4 =	simm.s32 $_scs_section_size  }
0x9a: {  	s5 =	simm.s32 $_size__tile_overlayer_lowered;
	s6 =	simm.s32 $_tile_overlayer_lowered  }
0x9b: {  	s22 =	simm.s32 $0x1BFF;
	s21 =	sshll.u32 s6, $0x1;
	s3 =	sadd.s32 s4, s19  }
0x9c: {  	s7 =	simm.s32 $0x0;
	s20 =	sshll.u32 s5, $0x1;
	s5 =	sadd.s32 s21, s3  }
0x9d: {  	[timem:s7], [sflag:s22] =	dma.local [hbm:s5], s20  }
0x9e: {  	_ =	swait.ge [sflag:s22], s20  }
0x9f: {  	s4 =	ssub.s32 $0x0, s20;
	[sflag:s22] =	ssyncset.done $0x0  }
0xa0: {  	[sflag:s22] =	ssyncadd.s32 s4;
	_ =	sdelay $0x1  }
0xa1: {  	s23 =	simm.s32 $0x1B8B  }
0xa2: {  	_ =	swait.ge [sflag:s23], $0x1  }
0xa3: {  	[sflag:s23] =	ssyncset.done $0x0  }
0xa4: {  	s25 =	simm.s32 $0x1B8E;
	s24 =	sld [smem:$0x3FFE];
	[sflag:s23] =	ssyncadd.s32 $0xFFFFFFFF  }
0xa5: {  	s26 =	simm.s32 $execute0_lowered;
	[smem:$0x3FD2] =	sst s25  }
0xa6: {  	s5 =	sshll.u32 s26, $0x1;
	_ =	strace $0x80000046;
	[dreg:$0x1] =	wrdreg $0xFFFFFFFF  }
0xa7: {  	s28 =	simm.s32 $_size_execute0_lowered;
	s3 =	sadd.s32 s3, s5;
	[dreg:$0x0] =	wrdreg $0x0  }
0xa8: {  	s5 =	sshll.u32 s28, $0x1;
	[dreg:$0x2] =	wrdreg s3  }
0xa9: {  	[dreg:$0x3] =	wrdreg s5  }
0xaa: {  	[dreg:$0x4] =	wrdreg $0xC0  }
0xab: {  	_ =	task [dreg:s7], $0x5FFFF  }
0xac: {  	[dreg:$0x1] =	wrdreg $0xFFFFFFFF  }
0xad: {  	[dreg:$0x0] =	wrdreg $0x60  }
0xae: {  	[dreg:$0x2] =	wrdreg s24  }
0xaf: {  	[dreg:$0x3] =	wrdreg s2  }
0xb0: {  	[dreg:$0x4] =	wrdreg $0x9  }
0xb1: {  	_ =	task.clear_ibuf [dreg:s7], $0x5FFFF;
	_ =	strace $0x90000046  }
0xb2: {  	s29 =	simm.s32 $0x9;
	_ =	strace $0x80000048  }
0xb3: {  	_ =	swait.ge [sflag:s29], $0x1  }
0xb4: {  	[sflag:s29] =	ssyncadd.s32 $0xFFFFFFFF  }
0xb5: {  	_ =	strace $0x90000048  }
0xb6: {  	_ =	sfence  }
0xb7: {  	s30 =	sld [smem:$0x0];
	_ =	sdelay $0x2  }
0xb8: {  	s31 =	sshll.u32 s1, $0xD;
	s1 =	sshrl.u32 s1, $0x2  }
0xb9: {  	s3 =	sand.u32 $0x4000, s31;
	s1 =	sadd.s32 s1, s30  }
0xba: {  	s0 =	sor.u32 s3, s0;
	s1 =	sshll.u32 s1, $0x11  }
0xbb: {  	s0 =	sor.u32 s1, s0  }
0xbc: {  	s0 =	sadd.s32 $0x8F2B, s0  }
0xbd: {  	[sflag:s0] =	ssyncadd.remote.s32 $0x1  }
0xbe: {  	_ =	sfence.sel $0xFFFF  }
0xbf: {  	[dreg:$0x0] =	wrdreg $0xFFFFFFFF;
	(pc) =	sbr.abs _section_cstart, $3  }
0xc0: {  	[dreg:$0x1] =	wrdreg $0xFFFFFFFF  }
0xc1: {  	_ =	task.clear_ibuf [dreg:s7], $0x2FFFF;
	_ =	strace $0x9FFFFFFF  }
0xc2: {  	(tm) =	ssettm $0x7FFFFFFF  }
0xc3: {  	_ =	shalt  }
tec
execute0_lowered:
.L_overlay_start_1:
0x0: {  	(tag) =	ssettag $0x1  }
0x1: {  	s0 =	rddreg [dreg:$0x0]  }
0x2: {  	s1 =	rddreg [dreg:$0x1]  }
0x3: {  	s2 =	simm.s32 $0x0;
	s3 =	srdreg.scid;
	s5 =	stileid.u32  }
0x4: {  	s10 =	simm.s32 $0x5;
	s28 =	simm.s32 $0x1000;
	s31 =	simm.s32 $0x186A0  }
0x5: {  	s13 =	simm.s32 $0x80;
	s14 =	simm.s32 $0x3000;
	s15 =	simm.s32 $0xB000  }
0x6: {  	s19 =	simm.s32 $0x1;
	s20 =	simm.s32 $0x13000;
	s21 =	simm.s32 $0x3  }
0x7: {  	s22 =	simm.s32 $0x4;
	s23 =	simm.s32 $0x2;
	s24 =	simm.s32 $0x17000  }
0x8: {  	[smem:$0x7FF] =	sst s2;
	s4 =	sand.u32 $0x1, s3;
	s25 =	sshll.u32 s5, $0x1  }
0x9: {  	s3 =	sadd.s32 $0xCA00, s0;
	_ =	strace $0x80000047;
	s5 =	sor.u32 s4, s25  }
0xa: {  	s6 =	ssub.s32 $0x2, s4;
	s4 =	sadd.s32 $0x19CA00, s0;
	s7 =	smul.u32 $0xC80, s5  }
.Ltmp0:
0xb: {  	[dreg:$0x3] =	wrdreg s31;
	s5 =	sshll.u32 s5, $0x9;
	(pc) =	sbr.rel .LBB2_1-.Ltmp0, $4  }
0xc: {  	s25 =	simm.s32 $0x0;
	s8 =	sshrl.u32 s6, $0x1;
	s0 =	sadd.s32 s5, s0  }
0xd: {  	s26 =	ssub.s32 s6, s8;
	s7 =	smin.u32 s7, $0x17A20;
	s29 =	sadd.s32 $0xA00, s0  }
0xe: {  	s6 =	sadd.s32 $0x4A00, s0;
	s9 =	smax.u32 s26, $0x1;
	s30 =	sshll.u32 s7, $0x4  }
0xf: {  	v0 =	vlaneseq.u32;
	[dreg:$0x4] =	wrdreg s29;
	s7 =	sadd.s32 $0x8A00, s0;
	s8 =	sadd.s32 s1, s30  }
.LBB2_12:
0x10: {  	s25 =	sadd.s32 $0x1, s25  }
0x11: {  	_ =	swait.ge [sflag:s21], $0x4000;
	p0 =	sne.s32 s25, s9  }
.Ltmp1:
0x12: {  	[sflag:s21] =	ssyncset.done $0x0;
	(pc) =	sbr.rel @!p0 .LBB2_13-.Ltmp1, $4  }
0x13: {  	[sflag:s21] =	ssyncadd.s32 $0xFFFFC000  }
0x14: {  	_ =	swait.ge [sflag:s22], $0x4000  }
0x15: {  	[sflag:s22] =	ssyncset.done $0x0  }
0x16: {  	s28 =	simm.s32 $0x1000;
	[sflag:s22] =	ssyncadd.s32 $0xFFFFC000  }
.LBB2_1:
0x17: {  	s0 =	rddreg [dreg:$0x4]  }
0x18: {  	[tilespmem:s2], [sflag:$0x5] =	stream.linear.gather [hbm4b:s0+s2], $0xC80, $0x38;
	[tilespmem:$0x1B000] =	vst v63  }
0x19: {  	_ =	swait.ge [sflag:s10], $0xC80  }
0x1a: {  	[sflag:s10] =	ssyncset.done $0x0  }
0x1b: {  	[sflag:s10] =	ssyncadd.s32 $0xFFFFF380  }
0x1c: {  	[tilespmem:s28], [sflag:$0x5] =	stream.linear.gather [hbm4b:s6+s2], $0xC80, $0x38;
	[tilespmem:$0x1B000] =	vst v63  }
0x1d: {  	_ =	swait.ge [sflag:s10], $0xC80  }
0x1e: {  	[sflag:s10] =	ssyncset.done $0x0  }
0x1f: {  	s26 =	simm.s32 $0x2000;
	[sflag:s10] =	ssyncadd.s32 $0xFFFFF380  }
0x20: {  	[tilespmem:s26], [sflag:$0x5] =	stream.linear.gather [hbm4b:s7+s2], $0xC80, $0x38;
	[tilespmem:$0x1B000] =	vst v63  }
0x21: {  	_ =	swait.ge [sflag:s10], $0xC80  }
0x22: {  	[sflag:s10] =	ssyncset.done $0x0  }
0x23: {  	s29 =	simm.s32 $0x2040;
	[sflag:s10] =	ssyncadd.s32 $0xFFFFF380  }
0x24: {  	s1 =	simm.s32 $0x1040;
	v1 =	vld [tilespmem:s29+$0xFFFFFFC0]  }
0x25: {  	v2 =	vld [tilespmem:s1+$0xFFFFFFC0]  }
0x26: {  	p0 =	por $0x1, $0x1;
	s5 =	rddreg [dreg:$0x3]  }
0x27: {  	s5 =	simm.s32 @!p0 $0x17D40  }
0x28: {  	s5 =	sadd.s32 $0x0, s5  }
0x29: {  	vm0 =	veq.s32 v1, $0x0;
	v1 =	vor.u32 s5, v0  }
0x2a: {  	v1 =	vsel vm0, v1, v2  }
0x2b: {  	[tilespmem:s1+$0xFFFFFFC0] =	vst v1  }
0x2c: {  	v1 =	vld [tilespmem:s29+$0xFFFFFFD0]  }
0x2d: {  	s11 =	simm.s32 $0xFFFFFF6B;
	s5 =	simm.s32 $0x1;
	v2 =	vld [tilespmem:s1+$0xFFFFFFD0]  }
0x2e: {  	s11 =	smov.u32 @p0 s5  }
0x2f: {  	s5 =	sshll.u32 s11, $0x4  }
0x30: {  	s5 =	sadd.s32 $0x186A0, s5  }
0x31: {  	vm9 =	veq.s32 v1, $0x0;
	v1 =	vor.u32 s5, v0  }
0x32: {  	v1 =	vsel vm9, v1, v2  }
0x33: {  	[tilespmem:s1+$0xFFFFFFD0] =	vst v1  }
0x34: {  	v1 =	vld [tilespmem:s29+$0xFFFFFFE0]  }
0x35: {  	p0 =	por $0x1, $0x1;
	s11 =	simm.s32 $0xFFFFFF6C;
	s5 =	simm.s32 $0x2;
	v2 =	vld [tilespmem:s1+$0xFFFFFFE0]  }
0x36: {  	s11 =	smov.u32 @p0 s5  }
0x37: {  	s5 =	sshll.u32 s11, $0x4  }
0x38: {  	s5 =	sadd.s32 $0x186A0, s5  }
0x39: {  	vm10 =	veq.s32 v1, $0x0;
	v1 =	vor.u32 s5, v0  }
0x3a: {  	v1 =	vsel vm10, v1, v2  }
0x3b: {  	[tilespmem:s1+$0xFFFFFFE0] =	vst v1  }
0x3c: {  	v1 =	vld [tilespmem:s29+$0xFFFFFFF0]  }
0x3d: {  	p0 =	por $0x1, $0x1;
	s11 =	simm.s32 $0xFFFFFF6D;
	s5 =	simm.s32 $0x3;
	v2 =	vld [tilespmem:s1+$0xFFFFFFF0]  }
0x3e: {  	s11 =	smov.u32 @p0 s5  }
0x3f: {  	s5 =	sshll.u32 s11, $0x4  }
0x40: {  	s5 =	sadd.s32 $0x186A0, s5  }
0x41: {  	vm11 =	veq.s32 v1, $0x0;
	v1 =	vor.u32 s5, v0  }
0x42: {  	v1 =	vsel vm11, v1, v2  }
0x43: {  	[tilespmem:s1+$0xFFFFFFF0] =	vst v1  }
0x44: {  	v1 =	vld [tilespmem:s29+$0x0]  }
0x45: {  	p0 =	por $0x1, $0x1;
	s11 =	simm.s32 $0xFFFFFF6E;
	s5 =	simm.s32 $0x4;
	v2 =	vld [tilespmem:s1+$0x0]  }
0x46: {  	s11 =	smov.u32 @p0 s5  }
0x47: {  	s5 =	sshll.u32 s11, $0x4  }
0x48: {  	s5 =	sadd.s32 $0x186A0, s5  }
0x49: {  	vm12 =	veq.s32 v1, $0x0;
	v1 =	vor.u32 s5, v0  }
0x4a: {  	v1 =	vsel vm12, v1, v2  }
0x4b: {  	[tilespmem:s1+$0x0] =	vst v1  }
0x4c: {  	v1 =	vld [tilespmem:s29+$0x10]  }
0x4d: {  	p0 =	por $0x1, $0x1;
	s11 =	simm.s32 $0xFFFFFF6F;
	s5 =	simm.s32 $0x5;
	v2 =	vld [tilespmem:s1+$0x10]  }
0x4e: {  	s11 =	smov.u32 @p0 s5  }
0x4f: {  	s5 =	sshll.u32 s11, $0x4  }
0x50: {  	s5 =	sadd.s32 $0x186A0, s5  }
0x51: {  	vm13 =	veq.s32 v1, $0x0;
	v1 =	vor.u32 s5, v0  }
0x52: {  	v1 =	vsel vm13, v1, v2  }
0x53: {  	[tilespmem:s1+$0x10] =	vst v1  }
0x54: {  	v1 =	vld [tilespmem:s29+$0x20]  }
0x55: {  	p0 =	por $0x1, $0x1;
	s11 =	simm.s32 $0xFFFFFF70;
	s5 =	simm.s32 $0x6;
	v2 =	vld [tilespmem:s1+$0x20]  }
0x56: {  	s11 =	smov.u32 @p0 s5  }
0x57: {  	s5 =	sshll.u32 s11, $0x4  }
0x58: {  	s5 =	sadd.s32 $0x186A0, s5  }
0x59: {  	vm14 =	veq.s32 v1, $0x0;
	v1 =	vor.u32 s5, v0  }
0x5a: {  	v1 =	vsel vm14, v1, v2  }
0x5b: {  	[tilespmem:s1+$0x20] =	vst v1  }
0x5c: {  	v1 =	vld [tilespmem:s29+$0x30]  }
0x5d: {  	s30 =	simm.s32 $0x7;
	s31 =	simm.s32 $0xFFFFFF71;
	v2 =	vld [tilespmem:s1+$0x30]  }
0x5e: {  	s0 =	smin.u32 s30, s31  }
0x5f: {  	s0 =	sshll.u32 s0, $0x4  }
0x60: {  	s0 =	sadd.s32 $0x186A0, s0  }
0x61: {  	vm15 =	veq.s32 v1, $0x0;
	v1 =	vor.u32 s0, v0  }
0x62: {  	s12 =	simm.s32 $0x20C0;
	v1 =	vsel vm15, v1, v2  }
0x63: {  	s17 =	simm.s32 $0x17;
	s18 =	simm.s32 $0x0;
	s16 =	simm.s32 $0x0;
	[tilespmem:s1+$0x30] =	vst v1  }
0x64: {  	s5 =	rddreg [dreg:$0x3];
	s0 =	simm.s32 $0xF;
	s1 =	simm.s32 $0x10C0;
	v1 =	vld [tilespmem:s12+$0xFFFFFFC0]  }
.LBB2_2:
0x65: {  	v2 =	vld [tilespmem:s1+$0xFFFFFFC0];
	s18 =	sadd.s32 $0x1, s18  }
0x66: {  	p1 =	slt.u32 s18, $0x13  }
0x67: {  	s16 =	sadd.s32 $0x80, s16;
	s5 =	simm.s32 @!p1 $0x17D40  }
0x68: {  	s5 =	sadd.s32 s16, s5  }
0x69: {  	vm0 =	veq.s32 v1, $0x0;
	v1 =	vor.u32 s5, v0  }
0x6a: {  	v1 =	vsel vm0, v1, v2  }
0x6b: {  	[tilespmem:s1+$0xFFFFFFC0] =	vst v1  }
0x6c: {  	v1 =	vld [tilespmem:s12+$0xFFFFFFD0]  }
0x6d: {  	s11 =	sadd.s32 $0xFFFFFF64, s0;
	s5 =	sadd.s32 $0xFFFFFFFA, s0;
	v2 =	vld [tilespmem:s1+$0xFFFFFFD0]  }
0x6e: {  	s11 =	smov.u32 @p1 s5  }
0x6f: {  	s5 =	sshll.u32 s11, $0x4  }
0x70: {  	s5 =	sadd.s32 $0x186A0, s5  }
0x71: {  	vm9 =	veq.s32 v1, $0x0;
	v1 =	vor.u32 s5, v0  }
0x72: {  	v1 =	vsel vm9, v1, v2  }
0x73: {  	[tilespmem:s1+$0xFFFFFFD0] =	vst v1  }
0x74: {  	s5 =	sadd.s32 $0xFFFFFFFB, s0;
	v1 =	vld [tilespmem:s12+$0xFFFFFFE0]  }
0x75: {  	s11 =	sadd.s32 $0xFFFFFF65, s0;
	v2 =	vld [tilespmem:s1+$0xFFFFFFE0];
	p1 =	slt.u32 s5, $0x96  }
0x76: {  	s11 =	smov.u32 @p1 s5  }
0x77: {  	s5 =	sshll.u32 s11, $0x4  }
0x78: {  	s5 =	sadd.s32 $0x186A0, s5  }
0x79: {  	vm10 =	veq.s32 v1, $0x0;
	v1 =	vor.u32 s5, v0  }
0x7a: {  	v1 =	vsel vm10, v1, v2  }
0x7b: {  	[tilespmem:s1+$0xFFFFFFE0] =	vst v1  }
0x7c: {  	s5 =	sadd.s32 $0xFFFFFFFC, s0;
	v1 =	vld [tilespmem:s12+$0xFFFFFFF0]  }
0x7d: {  	s11 =	sadd.s32 $0xFFFFFF66, s0;
	v2 =	vld [tilespmem:s1+$0xFFFFFFF0];
	p1 =	slt.u32 s5, $0x96  }
0x7e: {  	s11 =	smov.u32 @p1 s5  }
0x7f: {  	s5 =	sshll.u32 s11, $0x4  }
0x80: {  	s5 =	sadd.s32 $0x186A0, s5  }
0x81: {  	vm11 =	veq.s32 v1, $0x0;
	v1 =	vor.u32 s5, v0  }
0x82: {  	v1 =	vsel vm11, v1, v2  }
0x83: {  	[tilespmem:s1+$0xFFFFFFF0] =	vst v1  }
0x84: {  	s5 =	sadd.s32 $0xFFFFFFFD, s0;
	v1 =	vld [tilespmem:s12+$0x0]  }
0x85: {  	s11 =	sadd.s32 $0xFFFFFF67, s0;
	v2 =	vld [tilespmem:s1+$0x0];
	p1 =	slt.u32 s5, $0x96  }
0x86: {  	s11 =	smov.u32 @p1 s5  }
0x87: {  	s5 =	sshll.u32 s11, $0x4  }
0x88: {  	s5 =	sadd.s32 $0x186A0, s5  }
0x89: {  	vm12 =	veq.s32 v1, $0x0;
	v1 =	vor.u32 s5, v0  }
0x8a: {  	v1 =	vsel vm12, v1, v2  }
0x8b: {  	[tilespmem:s1+$0x0] =	vst v1  }
0x8c: {  	s5 =	sadd.s32 $0xFFFFFFFE, s0;
	v1 =	vld [tilespmem:s12+$0x10]  }
0x8d: {  	s11 =	sadd.s32 $0xFFFFFF68, s0;
	v2 =	vld [tilespmem:s1+$0x10];
	p1 =	slt.u32 s5, $0x96  }
0x8e: {  	s11 =	smov.u32 @p1 s5  }
0x8f: {  	s5 =	sshll.u32 s11, $0x4  }
0x90: {  	s5 =	sadd.s32 $0x186A0, s5  }
0x91: {  	vm13 =	veq.s32 v1, $0x0;
	v1 =	vor.u32 s5, v0  }
0x92: {  	v1 =	vsel vm13, v1, v2  }
0x93: {  	[tilespmem:s1+$0x10] =	vst v1  }
0x94: {  	s5 =	sadd.s32 $0xFFFFFFFF, s0;
	v1 =	vld [tilespmem:s12+$0x20]  }
0x95: {  	s11 =	sadd.s32 $0xFFFFFF69, s0;
	v2 =	vld [tilespmem:s1+$0x20];
	p1 =	slt.u32 s5, $0x96  }
0x96: {  	s11 =	smov.u32 @p1 s5  }
0x97: {  	s5 =	sshll.u32 s11, $0x4  }
0x98: {  	s5 =	sadd.s32 $0x186A0, s5  }
0x99: {  	vm14 =	veq.s32 v1, $0x0;
	v1 =	vor.u32 s5, v0  }
0x9a: {  	v1 =	vsel vm14, v1, v2  }
0x9b: {  	[tilespmem:s1+$0x20] =	vst v1  }
0x9c: {  	v1 =	vld [tilespmem:s12+$0x30]  }
0x9d: {  	s31 =	sadd.s32 $0xFFFFFF6A, s0;
	v2 =	vld [tilespmem:s1+$0x30]  }
0x9e: {  	s5 =	smin.u32 s0, s31  }
0x9f: {  	p0 =	sne.s32 s17, $0xC7;
	s5 =	sshll.u32 s5, $0x4  }
.Ltmp2:
0xa0: {  	s5 =	sadd.s32 $0x186A0, s5;
	(pc) =	sbr.rel @p0 .LBB2_2-.Ltmp2, $4  }
0xa1: {  	vm15 =	veq.s32 v1, $0x0;
	v1 =	vor.u32 s5, v0  }
0xa2: {  	v1 =	vsel vm15, v1, v2  }
0xa3: {  	s0 =	smov.u32 s17;
	s12 =	sadd.s32 $0x80, s12;
	[tilespmem:s1+$0x30] =	vst v1  }
0xa4: {  	s17 =	sadd.s32 $0x8, s17;
	s5 =	rddreg [dreg:$0x3];
	s1 =	sadd.s32 $0x80, s1;
	v1 =	vld [tilespmem:s12+$0xFFFFFFC0]  }
0xa5: {  	v2 =	vld [tilespmem:s1+$0xFFFFFFC0];
	s11 =	sadd.s32 $0x1, s18  }
0xa6: {  	p0 =	slt.u32 s11, $0x13  }
0xa7: {  	s18 =	sadd.s32 $0x80, s16;
	s5 =	simm.s32 @!p0 $0x17D40  }
0xa8: {  	s5 =	sadd.s32 s18, s5  }
0xa9: {  	vm0 =	veq.s32 v1, $0x0;
	v1 =	vor.u32 s5, v0  }
0xaa: {  	v1 =	vsel vm0, v1, v2  }
0xab: {  	[tilespmem:s1+$0xFFFFFFC0] =	vst v1  }
0xac: {  	v1 =	vld [tilespmem:s12+$0xFFFFFFD0]  }
0xad: {  	s11 =	sadd.s32 $0xFFFFFF64, s0;
	s5 =	sadd.s32 $0xFFFFFFFA, s0;
	v2 =	vld [tilespmem:s1+$0xFFFFFFD0]  }
0xae: {  	s11 =	smov.u32 @p0 s5  }
0xaf: {  	s5 =	sshll.u32 s11, $0x4  }
0xb0: {  	s5 =	sadd.s32 $0x186A0, s5  }
0xb1: {  	vm9 =	veq.s32 v1, $0x0;
	v1 =	vor.u32 s5, v0  }
0xb2: {  	v1 =	vsel vm9, v1, v2  }
0xb3: {  	[tilespmem:s1+$0xFFFFFFD0] =	vst v1  }
0xb4: {  	s5 =	sadd.s32 $0xFFFFFFFB, s0;
	v1 =	vld [tilespmem:s12+$0xFFFFFFE0]  }
0xb5: {  	s11 =	sadd.s32 $0xFFFFFF65, s0;
	v2 =	vld [tilespmem:s1+$0xFFFFFFE0];
	p0 =	slt.u32 s5, $0x96  }
0xb6: {  	s11 =	smov.u32 @p0 s5  }
0xb7: {  	s5 =	sshll.u32 s11, $0x4  }
0xb8: {  	s5 =	sadd.s32 $0x186A0, s5  }
0xb9: {  	vm10 =	veq.s32 v1, $0x0;
	v1 =	vor.u32 s5, v0  }
0xba: {  	v1 =	vsel vm10, v1, v2  }
0xbb: {  	[tilespmem:s1+$0xFFFFFFE0] =	vst v1  }
0xbc: {  	s5 =	sadd.s32 $0xFFFFFFFC, s0;
	v1 =	vld [tilespmem:s12+$0xFFFFFFF0]  }
0xbd: {  	s11 =	sadd.s32 $0xFFFFFF66, s0;
	v2 =	vld [tilespmem:s1+$0xFFFFFFF0];
	p0 =	slt.u32 s5, $0x96  }
0xbe: {  	s11 =	smov.u32 @p0 s5  }
0xbf: {  	s5 =	sshll.u32 s11, $0x4  }
0xc0: {  	s5 =	sadd.s32 $0x186A0, s5  }
0xc1: {  	vm11 =	veq.s32 v1, $0x0;
	v1 =	vor.u32 s5, v0  }
0xc2: {  	v1 =	vsel vm11, v1, v2  }
0xc3: {  	[tilespmem:s1+$0xFFFFFFF0] =	vst v1  }
0xc4: {  	s5 =	sadd.s32 $0xFFFFFFFD, s0;
	v1 =	vld [tilespmem:s12+$0x0]  }
0xc5: {  	s11 =	sadd.s32 $0xFFFFFF67, s0;
	v2 =	vld [tilespmem:s1+$0x0];
	p0 =	slt.u32 s5, $0x96  }
0xc6: {  	s11 =	smov.u32 @p0 s5  }
0xc7: {  	s5 =	sshll.u32 s11, $0x4  }
0xc8: {  	s5 =	sadd.s32 $0x186A0, s5  }
0xc9: {  	vm12 =	veq.s32 v1, $0x0;
	v1 =	vor.u32 s5, v0  }
0xca: {  	v1 =	vsel vm12, v1, v2  }
0xcb: {  	[tilespmem:s1+$0x0] =	vst v1  }
0xcc: {  	s5 =	sadd.s32 $0xFFFFFFFE, s0;
	v1 =	vld [tilespmem:s12+$0x10]  }
0xcd: {  	s11 =	sadd.s32 $0xFFFFFF68, s0;
	v2 =	vld [tilespmem:s1+$0x10];
	p0 =	slt.u32 s5, $0x96  }
0xce: {  	s11 =	smov.u32 @p0 s5  }
0xcf: {  	s5 =	sshll.u32 s11, $0x4  }
0xd0: {  	s5 =	sadd.s32 $0x186A0, s5  }
0xd1: {  	vm13 =	veq.s32 v1, $0x0;
	v1 =	vor.u32 s5, v0  }
0xd2: {  	v1 =	vsel vm13, v1, v2  }
0xd3: {  	[tilespmem:s1+$0x10] =	vst v1  }
0xd4: {  	s5 =	sadd.s32 $0xFFFFFFFF, s0;
	v1 =	vld [tilespmem:s12+$0x20]  }
0xd5: {  	s11 =	sadd.s32 $0xFFFFFF69, s0;
	v2 =	vld [tilespmem:s1+$0x20];
	p0 =	slt.u32 s5, $0x96  }
0xd6: {  	s11 =	smov.u32 @p0 s5  }
0xd7: {  	s5 =	sshll.u32 s11, $0x4  }
0xd8: {  	s5 =	sadd.s32 $0x186A0, s5  }
0xd9: {  	vm14 =	veq.s32 v1, $0x0;
	v1 =	vor.u32 s5, v0  }
0xda: {  	v1 =	vsel vm14, v1, v2  }
0xdb: {  	[tilespmem:s1+$0x20] =	vst v1  }
0xdc: {  	v1 =	vld [tilespmem:s12+$0x30]  }
0xdd: {  	s26 =	sadd.s32 $0xFFFFFF6A, s0;
	v2 =	vld [tilespmem:s1+$0x30]  }
0xde: {  	s0 =	smin.u32 s0, s26  }
0xdf: {  	s0 =	sshll.u32 s0, $0x4  }
0xe0: {  	s0 =	sadd.s32 $0x186A0, s0  }
0xe1: {  	vm15 =	veq.s32 v1, $0x0;
	v1 =	vor.u32 s0, v0  }
0xe2: {  	v1 =	vsel vm15, v1, v2  }
0xe3: {  	s26 =	simm.s32 $0x0;
	[tilespmem:s1+$0x30] =	vst v1  }
0xe4: {  	[tilespmem:s14], [sflag:$0x1] =	stream.indirect.gather [hbm4b:s3+s13], $0x80, s26, s13, $0xb8;
	[tilespmem:$0x1B000] =	vst v63  }
0xe5: {  	_ = 	snop  }
0xe6: {  	[tilespmem:s15], [sflag:$0x1] =	stream.indirect.gather [hbm4b:s4+s13], $0x80, s28, s13, $0xb8;
	[tilespmem:$0x1B000] =	vst v63  }
.Ltmp3:
0xe7: {  	_ = 	snop;
	(pc) =	sbr.rel .LBB2_4-.Ltmp3, $4  }
0xe8: {  	s29 =	simm.s32 $0x7000  }
0xe9: {  	[tilespmem:s29], [sflag:$0x2] =	stream.indirect.gather [hbm4b:s3+s13], $0x80, s13, s13, $0xb8;
	[tilespmem:$0x1B000] =	vst v63  }
0xea: {  	s30 =	simm.s32 $0x1080;
	s31 =	simm.s32 $0xF000  }
0xeb: {  	[tilespmem:s31], [sflag:$0x2] =	stream.indirect.gather [hbm4b:s4+s13], $0x80, s30, s13, $0xb8;
	[tilespmem:$0x1B000] =	vst v63  }
.LBB2_11:
0xec: {  	s26 =	sadd.s32 $0x1, s26  }
0xed: {  	p0 =	sne.s32 s26, $0xD  }
.Ltmp4:
0xee: {  	_ = 	snop;
	(pc) =	sbr.rel @!p0 .LBB2_12-.Ltmp4, $1  }
0xef: {  	_ =	sdelay $0x3  }
.LBB2_4:
0xf0: {  	_ =	swait.ge [sflag:s19], $0x4000  }
0xf1: {  	[sflag:s19] =	ssyncset.done $0x0  }
0xf2: {  	[sflag:s19] =	ssyncadd.s32 $0xFFFFC000  }
0xf3: {  	_ =	swait.ge [sflag:s19], $0x4000  }
0xf4: {  	p0 =	seq.s32 s26, $0x0;
	[sflag:s19] =	ssyncset.done $0x0  }
0xf5: {  	s0 =	simm.s32 @!p0 $0x3;
	[sflag:s19] =	ssyncadd.s32 $0xFFFFC000  }
0xf6: {  	_ =	swait.ge @!p0 [sflag:s0], $0x4000  }
0xf7: {  	[sflag:s0] =	ssyncset.done @!p0 $0x0  }
0xf8: {  	s17 =	simm.s32 $0x3080;
	[sflag:s0] =	ssyncadd.s32 @!p0 $0xFFFFC000  }
0xf9: {  	s12 =	simm.s32 $0xB080;
	v1 =	vld [tilespmem:s17+$0x0]  }
0xfa: {  	v2 =	vld [tilespmem:s12+$0x0];
	_ =	sdelay $0x4  }
0xfb: {  	v1 =	vadd.f32 v2, v1;
	_ =	sdelay $0x1  }
0xfc: {  	s28 =	simm.s32 $0x13080;
	v3 =	vld [tilespmem:s17+$0xFFFFFF80];
	v1 =	vmax.f32 v1, $0.0e+00  }
0xfd: {  	v2 =	vld [tilespmem:s12+$0xFFFFFF80];
	[tilespmem:s28+$0x0] =	vst v1  }
0xfe: {  	v1 =	vld [tilespmem:s17+$0x10]  }
0xff: {  	v4 =	vld [tilespmem:s12+$0x10];
	_ =	sdelay $0x2  }
0x100: {  	v2 =	vadd.f32 v2, v3;
	_ =	sdelay $0x1  }
0x101: {  	v2 =	vmax.f32 v2, $0.0e+00;
	v1 =	vadd.f32 v4, v1  }
0x102: {  	[tilespmem:s28+$0xFFFFFF80] =	vst v2  }
0x103: {  	v2 =	vld [tilespmem:s17+$0xFFFFFF90];
	v1 =	vmax.f32 v1, $0.0e+00  }
0x104: {  	v3 =	vld [tilespmem:s12+$0xFFFFFF90];
	[tilespmem:s28+$0x10] =	vst v1  }
0x105: {  	v1 =	vld [tilespmem:s17+$0x20]  }
0x106: {  	v4 =	vld [tilespmem:s12+$0x20];
	_ =	sdelay $0x2  }
0x107: {  	v2 =	vadd.f32 v3, v2;
	_ =	sdelay $0x1  }
0x108: {  	v2 =	vmax.f32 v2, $0.0e+00;
	v1 =	vadd.f32 v4, v1  }
0x109: {  	[tilespmem:s28+$0xFFFFFF90] =	vst v2  }
0x10a: {  	v2 =	vld [tilespmem:s17+$0xFFFFFFA0];
	v1 =	vmax.f32 v1, $0.0e+00  }
0x10b: {  	v3 =	vld [tilespmem:s12+$0xFFFFFFA0];
	[tilespmem:s28+$0x20] =	vst v1  }
0x10c: {  	v1 =	vld [tilespmem:s17+$0x30]  }
0x10d: {  	s31 =	simm.s32 $0x3180;
	v4 =	vld [tilespmem:s12+$0x30]  }
0x10e: {  	s30 =	simm.s32 $0xB180;
	v5 =	vld [tilespmem:s31+$0x0]  }
0x10f: {  	v6 =	vld [tilespmem:s30+$0x0]  }
0x110: {  	v2 =	vadd.f32 v3, v2;
	_ =	sdelay $0x1  }
0x111: {  	v3 =	vld [tilespmem:s30+$0xFFFFFF80];
	v2 =	vmax.f32 v2, $0.0e+00;
	v1 =	vadd.f32 v4, v1  }
0x112: {  	[tilespmem:s28+$0xFFFFFFA0] =	vst v2;
	v2 =	vld [tilespmem:s31+$0xFFFFFF80]  }
0x113: {  	v5 =	vadd.f32 v6, v5;
	v4 =	vld [tilespmem:s17+$0xFFFFFFB0];
	v1 =	vmax.f32 v1, $0.0e+00  }
0x114: {  	v6 =	vld [tilespmem:s12+$0xFFFFFFB0];
	[tilespmem:s28+$0x30] =	vst v1  }
0x115: {  	s29 =	simm.s32 $0x13180;
	v1 =	vmax.f32 v5, $0.0e+00;
	v5 =	vld [tilespmem:s17+$0x40]  }
0x116: {  	[tilespmem:s29+$0x0] =	vst v1;
	v1 =	vld [tilespmem:s12+$0x40]  }
0x117: {  	v2 =	vadd.f32 v3, v2;
	v3 =	vld [tilespmem:s31+$0x10]  }
0x118: {  	v7 =	vld [tilespmem:s30+$0x10]  }
0x119: {  	v4 =	vadd.f32 v6, v4;
	v2 =	vmax.f32 v2, $0.0e+00  }
0x11a: {  	[tilespmem:s29+$0xFFFFFF80] =	vst v2  }
0x11b: {  	v4 =	vmax.f32 v4, $0.0e+00;
	v2 =	vld [tilespmem:s31+$0xFFFFFF90];
	v1 =	vadd.f32 v1, v5  }
0x11c: {  	[tilespmem:s28+$0xFFFFFFB0] =	vst v4;
	v5 =	vld [tilespmem:s30+$0xFFFFFF90]  }
0x11d: {  	v4 =	vld [tilespmem:s17+$0xFFFFFFC0];
	v3 =	vadd.f32 v7, v3;
	v1 =	vmax.f32 v1, $0.0e+00  }
0x11e: {  	v6 =	vld [tilespmem:s12+$0xFFFFFFC0];
	[tilespmem:s28+$0x40] =	vst v1  }
0x11f: {  	v1 =	vmax.f32 v3, $0.0e+00;
	v3 =	vld [tilespmem:s17+$0x50]  }
0x120: {  	[tilespmem:s29+$0x10] =	vst v1;
	v1 =	vld [tilespmem:s12+$0x50]  }
0x121: {  	v2 =	vadd.f32 v5, v2;
	v5 =	vld [tilespmem:s31+$0x20]  }
0x122: {  	v7 =	vld [tilespmem:s30+$0x20];
	_ =	sdelay $0x1  }
0x123: {  	s16 =	simm.s32 $0xB280;
	v4 =	vadd.f32 v6, v4;
	v2 =	vmax.f32 v2, $0.0e+00  }
0x124: {  	v9 =	vld [tilespmem:s16+$0x0];
	[tilespmem:s29+$0xFFFFFF90] =	vst v2;
	v1 =	vadd.f32 v1, v3  }
0x125: {  	v4 =	vmax.f32 v4, $0.0e+00;
	v2 =	vld [tilespmem:s31+$0xFFFFFFA0]  }
0x126: {  	[tilespmem:s28+$0xFFFFFFC0] =	vst v4;
	v3 =	vld [tilespmem:s30+$0xFFFFFFA0];
	v5 =	vadd.f32 v7, v5;
	v1 =	vmax.f32 v1, $0.0e+00  }
0x127: {  	v4 =	vld [tilespmem:s17+$0xFFFFFFD0];
	[tilespmem:s28+$0x50] =	vst v1  }
0x128: {  	v1 =	vmax.f32 v5, $0.0e+00;
	v5 =	vld [tilespmem:s17+$0x60]  }
0x129: {  	[tilespmem:s29+$0x20] =	vst v1;
	v1 =	vld [tilespmem:s12+$0x60]  }
0x12a: {  	v7 =	vld [tilespmem:s31+$0x30]  }
0x12b: {  	v8 =	vld [tilespmem:s30+$0x30];
	v2 =	vadd.f32 v3, v2  }
0x12c: {  	s0 =	simm.s32 $0x3280;
	v6 =	vld [tilespmem:s12+$0xFFFFFFD0]  }
0x12d: {  	v3 =	vld [tilespmem:s0+$0x0];
	v2 =	vmax.f32 v2, $0.0e+00  }
0x12e: {  	[tilespmem:s29+$0xFFFFFFA0] =	vst v2;
	v2 =	vld [tilespmem:s0+$0xFFFFFF80];
	v1 =	vadd.f32 v1, v5  }
0x12f: {  	v5 =	vld [tilespmem:s16+$0xFFFFFF80]  }
0x130: {  	v7 =	vadd.f32 v8, v7;
	v8 =	vld [tilespmem:s31+$0xFFFFFFB0];
	v1 =	vmax.f32 v1, $0.0e+00  }
0x131: {  	[tilespmem:s28+$0x60] =	vst v1;
	v1 =	vld [tilespmem:s30+$0xFFFFFFB0]  }
0x132: {  	v3 =	vadd.f32 v9, v3;
	v7 =	vmax.f32 v7, $0.0e+00;
	v63 =	vld [tilespmem:s17+$0x70]  }
0x133: {  	[tilespmem:s29+$0x30] =	vst v7;
	v7 =	vld [tilespmem:s12+$0x70]  }
0x134: {  	s1 =	simm.s32 $0x13280;
	v3 =	vmax.f32 v3, $0.0e+00;
	v2 =	vadd.f32 v5, v2;
	v5 =	vld [tilespmem:s31+$0x40]  }
0x135: {  	[tilespmem:s1+$0x0] =	vst v3;
	v3 =	vld [tilespmem:s30+$0x40]  }
0x136: {  	v2 =	vmax.f32 v2, $0.0e+00;
	v1 =	vadd.f32 v1, v8;
	v8 =	vld [tilespmem:s0+$0x10]  }
0x137: {  	[tilespmem:s1+$0xFFFFFF80] =	vst v2;
	v2 =	vld [tilespmem:s16+$0x10]  }
0x138: {  	v4 =	vadd.f32 v6, v4;
	v6 =	vld [tilespmem:s0+$0xFFFFFF90];
	v1 =	vmax.f32 v1, $0.0e+00  }
0x139: {  	[tilespmem:s29+$0xFFFFFFB0] =	vst v1;
	v1 =	vld [tilespmem:s16+$0xFFFFFF90]  }
0x13a: {  	v4 =	vmax.f32 v4, $0.0e+00;
	v3 =	vadd.f32 v3, v5;
	v5 =	vld [tilespmem:s31+$0xFFFFFFC0]  }
0x13b: {  	[tilespmem:s28+$0xFFFFFFD0] =	vst v4;
	v4 =	vld [tilespmem:s30+$0xFFFFFFC0]  }
0x13c: {  	v3 =	vmax.f32 v3, $0.0e+00;
	v2 =	vadd.f32 v2, v8;
	v8 =	vld [tilespmem:s17+$0xFFFFFFE0]  }
0x13d: {  	[tilespmem:s29+$0x40] =	vst v3;
	v3 =	vld [tilespmem:s12+$0xFFFFFFE0]  }
0x13e: {  	v2 =	vmax.f32 v2, $0.0e+00;
	v1 =	vadd.f32 v1, v6;
	v6 =	vld [tilespmem:s31+$0x50]  }
0x13f: {  	[tilespmem:s1+$0x10] =	vst v2;
	v2 =	vld [tilespmem:s30+$0x50]  }
0x140: {  	v4 =	vadd.f32 v4, v5;
	v5 =	vld [tilespmem:s0+$0x20];
	v1 =	vmax.f32 v1, $0.0e+00  }
0x141: {  	[tilespmem:s1+$0xFFFFFF90] =	vst v1;
	v1 =	vld [tilespmem:s16+$0x20]  }
0x142: {  	v3 =	vadd.f32 v3, v8;
	v4 =	vmax.f32 v4, $0.0e+00;
	v8 =	vld [tilespmem:s0+$0xFFFFFFA0]  }
0x143: {  	[tilespmem:s29+$0xFFFFFFC0] =	vst v4;
	v4 =	vld [tilespmem:s16+$0xFFFFFFA0]  }
0x144: {  	v3 =	vmax.f32 v3, $0.0e+00;
	v2 =	vadd.f32 v2, v6;
	v10 =	vld [tilespmem:s31+$0xFFFFFFD0]  }
0x145: {  	[tilespmem:s28+$0xFFFFFFE0] =	vst v3;
	v11 =	vld [tilespmem:s30+$0xFFFFFFD0]  }
0x146: {  	v2 =	vmax.f32 v2, $0.0e+00;
	v3 =	vadd.f32 v1, v5;
	v1 =	vld [tilespmem:s17+$0xFFFFFFF0]  }
0x147: {  	v5 =	vadd.f32 v7, v63;
	[tilespmem:s29+$0x50] =	vst v2;
	v2 =	vld [tilespmem:s12+$0xFFFFFFF0]  }
0x148: {  	v6 =	vadd.f32 v4, v8;
	v4 =	vmax.f32 v3, $0.0e+00;
	v3 =	vld [tilespmem:s31+$0x60]  }
0x149: {  	v5 =	vmax.f32 v5, $0.0e+00;
	[tilespmem:s1+$0x20] =	vst v4;
	v4 =	vld [tilespmem:s30+$0x60]  }
0x14a: {  	s11 =	simm.s32 $0x4;
	[tilespmem:s28+$0x70] =	vst v5;
	v7 =	vmax.f32 v6, $0.0e+00;
	v5 =	vadd.f32 v11, v10;
	v6 =	vld [tilespmem:s0+$0x30]  }
0x14b: {  	s18 =	simm.s32 $0x3380;
	s12 =	sshll.u32 s26, $0x1;
	s17 =	simm.s32 $0xB280;
	[tilespmem:s1+$0xFFFFFFA0] =	vst v7;
	v7 =	vld [tilespmem:s16+$0x30]  }
.LBB2_5:
0x14c: {  	v8 =	vld [tilespmem:s18+$0x0];
	s16 =	sadd.s32 $0x100, s16;
	v5 =	vmax.f32 v5, $0.0e+00;
	v1 =	vadd.f32 v2, v1  }
0x14d: {  	v2 =	vld [tilespmem:s16+$0x0];
	[tilespmem:s29+$0xFFFFFFD0] =	vst v5  }
0x14e: {  	v5 =	vld [tilespmem:s16+$0xFFFFFF80];
	v3 =	vadd.f32 v4, v3;
	v1 =	vmax.f32 v1, $0.0e+00  }
0x14f: {  	v4 =	vld [tilespmem:s18+$0xFFFFFF80];
	[tilespmem:s28+$0xFFFFFFF0] =	vst v1;
	s28 =	smov.u32 s29;
	s29 =	smov.u32 s1  }
0x150: {  	v1 =	vld [tilespmem:s0+$0xFFFFFFB0];
	v6 =	vadd.f32 v7, v6;
	v3 =	vmax.f32 v3, $0.0e+00  }
0x151: {  	v7 =	vld [tilespmem:s17+$0xFFFFFFB0];
	[tilespmem:s28+$0x60] =	vst v3  }
0x152: {  	v2 =	vadd.f32 v2, v8;
	v3 =	vmax.f32 v6, $0.0e+00;
	v6 =	vld [tilespmem:s31+$0x70]  }
0x153: {  	[tilespmem:s1+$0x30] =	vst v3;
	v3 =	vld [tilespmem:s30+$0x70]  }
0x154: {  	s11 =	sadd.s32 $0x2, s11;
	s1 =	sadd.s32 $0x100, s1;
	v4 =	vadd.f32 v5, v4;
	v2 =	vmax.f32 v2, $0.0e+00;
	v5 =	vld [tilespmem:s0+$0x40]  }
0x155: {  	p1 =	slt.u32 s11, $0x7E;
	[tilespmem:s1+$0x0] =	vst v2;
	v2 =	vld [tilespmem:s17+$0x40]  }
0x156: {  	v4 =	vmax.f32 v4, $0.0e+00;
	v8 =	vld [tilespmem:s18+$0x10];
	v1 =	vadd.f32 v7, v1  }
0x157: {  	[tilespmem:s1+$0xFFFFFF80] =	vst v4;
	v4 =	vld [tilespmem:s16+$0x10]  }
0x158: {  	v7 =	vld [tilespmem:s18+$0xFFFFFF90];
	v1 =	vmax.f32 v1, $0.0e+00;
	v3 =	vadd.f32 v3, v6  }
0x159: {  	v6 =	vld [tilespmem:s16+$0xFFFFFF90];
	[tilespmem:s29+$0xFFFFFFB0] =	vst v1  }
0x15a: {  	v1 =	vld [tilespmem:s0+$0xFFFFFFC0];
	v2 =	vadd.f32 v2, v5;
	v3 =	vmax.f32 v3, $0.0e+00  }
0x15b: {  	v5 =	vld [tilespmem:s17+$0xFFFFFFC0];
	[tilespmem:s28+$0x70] =	vst v3  }
0x15c: {  	v3 =	vadd.f32 v4, v8;
	v2 =	vmax.f32 v2, $0.0e+00;
	v4 =	vld [tilespmem:s31+$0xFFFFFFE0]  }
0x15d: {  	[tilespmem:s29+$0x40] =	vst v2;
	v2 =	vld [tilespmem:s30+$0xFFFFFFE0]  }
0x15e: {  	v6 =	vadd.f32 v6, v7;
	v3 =	vmax.f32 v3, $0.0e+00;
	v7 =	vld [tilespmem:s0+$0x50]  }
0x15f: {  	[tilespmem:s1+$0x10] =	vst v3;
	v3 =	vld [tilespmem:s17+$0x50]  }
0x160: {  	v6 =	vmax.f32 v6, $0.0e+00;
	v8 =	vld [tilespmem:s18+$0x20];
	v1 =	vadd.f32 v5, v1  }
0x161: {  	[tilespmem:s1+$0xFFFFFF90] =	vst v6;
	v5 =	vld [tilespmem:s16+$0x20]  }
0x162: {  	v6 =	vld [tilespmem:s18+$0xFFFFFFA0];
	v1 =	vmax.f32 v1, $0.0e+00;
	v2 =	vadd.f32 v2, v4  }
0x163: {  	v4 =	vld [tilespmem:s16+$0xFFFFFFA0];
	[tilespmem:s29+$0xFFFFFFC0] =	vst v1  }
0x164: {  	v9 =	vld [tilespmem:s0+$0xFFFFFFD0];
	v1 =	vadd.f32 v3, v7;
	v2 =	vmax.f32 v2, $0.0e+00  }
0x165: {  	v7 =	vld [tilespmem:s17+$0xFFFFFFD0];
	[tilespmem:s28+$0xFFFFFFE0] =	vst v2  }
0x166: {  	v3 =	vadd.f32 v5, v8;
	v2 =	vmax.f32 v1, $0.0e+00;
	v1 =	vld [tilespmem:s31+$0xFFFFFFF0];
	s31 =	smov.u32 s0;
	s0 =	smov.u32 s18  }
.Ltmp5:
0x167: {  	[tilespmem:s29+$0x50] =	vst v2;
	v2 =	vld [tilespmem:s30+$0xFFFFFFF0];
	s30 =	smov.u32 s17;
	s17 =	smov.u32 s16;
	(pc) =	sbr.rel @p1 .LBB2_5-.Ltmp5, $4  }
0x168: {  	v5 =	vadd.f32 v4, v6;
	v4 =	vmax.f32 v3, $0.0e+00;
	v3 =	vld [tilespmem:s31+$0x60]  }
0x169: {  	[tilespmem:s1+$0x20] =	vst v4;
	v4 =	vld [tilespmem:s30+$0x60]  }
0x16a: {  	v8 =	vmax.f32 v5, $0.0e+00;
	v6 =	vld [tilespmem:s18+$0x30];
	v5 =	vadd.f32 v7, v9  }
0x16b: {  	s18 =	sadd.s32 $0x100, s18;
	[tilespmem:s1+$0xFFFFFFA0] =	vst v8;
	v7 =	vld [tilespmem:s16+$0x30]  }
0x16c: {  	v8 =	vld [tilespmem:s0+$0xFFFFFFB0]  }
0x16d: {  	v9 =	vld [tilespmem:s17+$0xFFFFFFB0];
	_ =	sdelay $0x2  }
0x16e: {  	v6 =	vadd.f32 v7, v6;
	_ =	sdelay $0x1  }
0x16f: {  	v53 =	vadd.f32 v9, v8;
	v6 =	vmax.f32 v6, $0.0e+00  }
0x170: {  	[tilespmem:s1+$0x30] =	vst v6  }
0x171: {  	v7 =	vmax.f32 v53, $0.0e+00;
	v6 =	vld [tilespmem:s0+$0x40]  }
0x172: {  	v54 =	vld [tilespmem:s17+$0x40];
	[tilespmem:s1+$0xFFFFFFB0] =	vst v7  }
0x173: {  	v7 =	vld [tilespmem:s0+$0xFFFFFFC0]  }
0x174: {  	v55 =	vld [tilespmem:s17+$0xFFFFFFC0];
	_ =	sdelay $0x2  }
0x175: {  	v6 =	vadd.f32 v54, v6;
	_ =	sdelay $0x1  }
0x176: {  	v7 =	vadd.f32 v55, v7;
	v6 =	vmax.f32 v6, $0.0e+00  }
0x177: {  	[tilespmem:s1+$0x40] =	vst v6  }
0x178: {  	v7 =	vmax.f32 v7, $0.0e+00;
	v6 =	vld [tilespmem:s0+$0x50]  }
0x179: {  	v56 =	vld [tilespmem:s17+$0x50];
	[tilespmem:s1+$0xFFFFFFC0] =	vst v7  }
0x17a: {  	v7 =	vld [tilespmem:s0+$0xFFFFFFD0]  }
0x17b: {  	v57 =	vld [tilespmem:s17+$0xFFFFFFD0];
	_ =	sdelay $0x2  }
0x17c: {  	v5 =	vmax.f32 v5, $0.0e+00;
	v6 =	vadd.f32 v56, v6  }
0x17d: {  	[tilespmem:s29+$0xFFFFFFD0] =	vst v5  }
0x17e: {  	v5 =	vld [tilespmem:s31+$0xFFFFFFE0];
	v7 =	vadd.f32 v57, v7;
	v6 =	vmax.f32 v6, $0.0e+00  }
0x17f: {  	v58 =	vld [tilespmem:s30+$0xFFFFFFE0];
	[tilespmem:s1+$0x50] =	vst v6  }
0x180: {  	v7 =	vmax.f32 v7, $0.0e+00;
	v6 =	vld [tilespmem:s0+$0x60]  }
0x181: {  	v59 =	vld [tilespmem:s17+$0x60];
	[tilespmem:s1+$0xFFFFFFD0] =	vst v7  }
0x182: {  	v3 =	vadd.f32 v4, v3;
	v60 =	vld [tilespmem:s0+$0xFFFFFFE0]  }
0x183: {  	v7 =	vld [tilespmem:s17+$0xFFFFFFE0]  }
0x184: {  	v3 =	vmax.f32 v3, $0.0e+00;
	v5 =	vadd.f32 v58, v5  }
0x185: {  	[tilespmem:s29+$0x60] =	vst v3  }
0x186: {  	v3 =	vld [tilespmem:s31+$0x70];
	v5 =	vmax.f32 v5, $0.0e+00;
	v6 =	vadd.f32 v59, v6  }
0x187: {  	v61 =	vld [tilespmem:s30+$0x70];
	[tilespmem:s29+$0xFFFFFFE0] =	vst v5  }
0x188: {  	v5 =	vld [tilespmem:s31+$0xFFFFFFF0];
	v4 =	vadd.f32 v7, v60;
	v6 =	vmax.f32 v6, $0.0e+00  }
0x189: {  	v62 =	vld [tilespmem:s30+$0xFFFFFFF0];
	[tilespmem:s1+$0x60] =	vst v6  }
0x18a: {  	v4 =	vmax.f32 v4, $0.0e+00;
	v6 =	vld [tilespmem:s0+$0x70]  }
0x18b: {  	v63 =	vld [tilespmem:s17+$0x70];
	[tilespmem:s1+$0xFFFFFFE0] =	vst v4  }
0x18c: {  	v4 =	vld [tilespmem:s0+$0xFFFFFFF0]  }
0x18d: {  	v10 =	vld [tilespmem:s17+$0xFFFFFFF0]  }
0x18e: {  	v1 =	vadd.f32 v2, v1  }
0x18f: {  	v2 =	vadd.f32 v61, v3  }
0x190: {  	v1 =	vmax.f32 v1, $0.0e+00;
	v3 =	vadd.f32 v62, v5  }
0x191: {  	p1 =	seq.s32 s26, $0xC;
	[tilespmem:s28+$0xFFFFFFF0] =	vst v1;
	v1 =	vmax.f32 v2, $0.0e+00;
	v2 =	vadd.f32 v63, v6  }
.Ltmp6:
0x192: {  	[tilespmem:s29+$0x70] =	vst v1;
	v1 =	vmax.f32 v3, $0.0e+00;
	v3 =	vadd.f32 v10, v4;
	(pc) =	sbr.rel @p1 .LBB2_12-.Ltmp6, $4  }
0x193: {  	[tilespmem:s29+$0xFFFFFFF0] =	vst v1;
	v1 =	vmax.f32 v2, $0.0e+00  }
0x194: {  	s31 =	sshll.u32 s26, $0xC;
	[tilespmem:s1+$0x70] =	vst v1;
	v1 =	vmax.f32 v3, $0.0e+00  }
0x195: {  	s0 =	sadd.s32 s31, s8;
	[tilespmem:s1+$0xFFFFFFF0] =	vst v1  }
0x196: {  	[hbm4b:s0+s2] =	stream.linear.scatter [tilespmem:s20], [sflag:$0x3], $0x4000, $0x38;
	[tilespmem:$0x1B000] =	vst v63  }
0x197: {  	s29 =	sor.u32 $0x1, s12  }
0x198: {  	p1 =	sgt.u32 s29, $0x18  }
.Ltmp7:
0x199: {  	s28 =	sshll.u32 s26, $0x8;
	(pc) =	sbr.rel @p1 .LBB2_11-.Ltmp7, $4  }
0x19a: {  	s0 =	sadd.s32 $0x100, s28  }
0x19b: {  	[tilespmem:s14], [sflag:$0x1] =	stream.indirect.gather [hbm4b:s3+s13], $0x80, s0, s13, $0xb8;
	[tilespmem:$0x1B000] =	vst v63  }
0x19c: {  	s31 =	sadd.s32 $0x1100, s28  }
0x19d: {  	[tilespmem:s15], [sflag:$0x1] =	stream.indirect.gather [hbm4b:s4+s13], $0x80, s31, s13, $0xb8;
	[tilespmem:$0x1B000] =	vst v63  }
0x19e: {  	_ =	swait.ge [sflag:s23], $0x4000  }
0x19f: {  	[sflag:s23] =	ssyncset.done $0x0  }
0x1a0: {  	[sflag:s23] =	ssyncadd.s32 $0xFFFFC000  }
0x1a1: {  	_ =	swait.ge [sflag:s23], $0x4000  }
0x1a2: {  	[sflag:s23] =	ssyncset.done $0x0  }
0x1a3: {  	s0 =	simm.s32 @!p0 $0x4;
	[sflag:s23] =	ssyncadd.s32 $0xFFFFC000  }
0x1a4: {  	_ =	swait.ge @!p0 [sflag:s0], $0x4000  }
0x1a5: {  	[sflag:s0] =	ssyncset.done @!p0 $0x0  }
0x1a6: {  	s11 =	simm.s32 $0x7080;
	[sflag:s0] =	ssyncadd.s32 @!p0 $0xFFFFC000  }
0x1a7: {  	s18 =	simm.s32 $0xF080;
	v1 =	vld [tilespmem:s11+$0x0]  }
0x1a8: {  	v2 =	vld [tilespmem:s18+$0x0];
	_ =	sdelay $0x4  }
0x1a9: {  	v1 =	vadd.f32 v2, v1;
	_ =	sdelay $0x1  }
0x1aa: {  	s30 =	simm.s32 $0x17080;
	v3 =	vld [tilespmem:s11+$0xFFFFFF80];
	v1 =	vmax.f32 v1, $0.0e+00  }
0x1ab: {  	v2 =	vld [tilespmem:s18+$0xFFFFFF80];
	[tilespmem:s30+$0x0] =	vst v1  }
0x1ac: {  	v1 =	vld [tilespmem:s11+$0x10]  }
0x1ad: {  	v4 =	vld [tilespmem:s18+$0x10];
	_ =	sdelay $0x2  }
0x1ae: {  	v2 =	vadd.f32 v2, v3;
	_ =	sdelay $0x1  }
0x1af: {  	v2 =	vmax.f32 v2, $0.0e+00;
	v1 =	vadd.f32 v4, v1  }
0x1b0: {  	[tilespmem:s30+$0xFFFFFF80] =	vst v2  }
0x1b1: {  	v2 =	vld [tilespmem:s11+$0xFFFFFF90];
	v1 =	vmax.f32 v1, $0.0e+00  }
0x1b2: {  	v3 =	vld [tilespmem:s18+$0xFFFFFF90];
	[tilespmem:s30+$0x10] =	vst v1  }
0x1b3: {  	v1 =	vld [tilespmem:s11+$0x20]  }
0x1b4: {  	v4 =	vld [tilespmem:s18+$0x20];
	_ =	sdelay $0x2  }
0x1b5: {  	v2 =	vadd.f32 v3, v2;
	_ =	sdelay $0x1  }
0x1b6: {  	v2 =	vmax.f32 v2, $0.0e+00;
	v1 =	vadd.f32 v4, v1  }
0x1b7: {  	[tilespmem:s30+$0xFFFFFF90] =	vst v2  }
0x1b8: {  	v2 =	vld [tilespmem:s11+$0xFFFFFFA0];
	v1 =	vmax.f32 v1, $0.0e+00  }
0x1b9: {  	v3 =	vld [tilespmem:s18+$0xFFFFFFA0];
	[tilespmem:s30+$0x20] =	vst v1  }
0x1ba: {  	v1 =	vld [tilespmem:s11+$0x30]  }
0x1bb: {  	s1 =	simm.s32 $0x7180;
	v4 =	vld [tilespmem:s18+$0x30]  }
0x1bc: {  	s0 =	simm.s32 $0xF180;
	v5 =	vld [tilespmem:s1+$0x0]  }
0x1bd: {  	v6 =	vld [tilespmem:s0+$0x0]  }
0x1be: {  	v2 =	vadd.f32 v3, v2;
	_ =	sdelay $0x1  }
0x1bf: {  	v3 =	vld [tilespmem:s0+$0xFFFFFF80];
	v2 =	vmax.f32 v2, $0.0e+00;
	v1 =	vadd.f32 v4, v1  }
0x1c0: {  	[tilespmem:s30+$0xFFFFFFA0] =	vst v2;
	v2 =	vld [tilespmem:s1+$0xFFFFFF80]  }
0x1c1: {  	v5 =	vadd.f32 v6, v5;
	v4 =	vld [tilespmem:s11+$0xFFFFFFB0];
	v1 =	vmax.f32 v1, $0.0e+00  }
0x1c2: {  	v6 =	vld [tilespmem:s18+$0xFFFFFFB0];
	[tilespmem:s30+$0x30] =	vst v1  }
0x1c3: {  	s31 =	simm.s32 $0x17180;
	v1 =	vmax.f32 v5, $0.0e+00;
	v5 =	vld [tilespmem:s11+$0x40]  }
0x1c4: {  	[tilespmem:s31+$0x0] =	vst v1;
	v1 =	vld [tilespmem:s18+$0x40]  }
0x1c5: {  	v2 =	vadd.f32 v3, v2;
	v3 =	vld [tilespmem:s1+$0x10]  }
0x1c6: {  	v7 =	vld [tilespmem:s0+$0x10]  }
0x1c7: {  	v4 =	vadd.f32 v6, v4;
	v2 =	vmax.f32 v2, $0.0e+00  }
0x1c8: {  	[tilespmem:s31+$0xFFFFFF80] =	vst v2  }
0x1c9: {  	v4 =	vmax.f32 v4, $0.0e+00;
	v2 =	vld [tilespmem:s1+$0xFFFFFF90];
	v1 =	vadd.f32 v1, v5  }
0x1ca: {  	[tilespmem:s30+$0xFFFFFFB0] =	vst v4;
	v5 =	vld [tilespmem:s0+$0xFFFFFF90]  }
0x1cb: {  	v4 =	vld [tilespmem:s11+$0xFFFFFFC0];
	v3 =	vadd.f32 v7, v3;
	v1 =	vmax.f32 v1, $0.0e+00  }
0x1cc: {  	v6 =	vld [tilespmem:s18+$0xFFFFFFC0];
	[tilespmem:s30+$0x40] =	vst v1  }
0x1cd: {  	v1 =	vmax.f32 v3, $0.0e+00;
	v3 =	vld [tilespmem:s11+$0x50]  }
0x1ce: {  	[tilespmem:s31+$0x10] =	vst v1;
	v1 =	vld [tilespmem:s18+$0x50]  }
0x1cf: {  	v2 =	vadd.f32 v5, v2;
	v5 =	vld [tilespmem:s1+$0x20]  }
0x1d0: {  	v7 =	vld [tilespmem:s0+$0x20];
	_ =	sdelay $0x1  }
0x1d1: {  	s17 =	simm.s32 $0xF280;
	v4 =	vadd.f32 v6, v4;
	v2 =	vmax.f32 v2, $0.0e+00  }
0x1d2: {  	v9 =	vld [tilespmem:s17+$0x0];
	[tilespmem:s31+$0xFFFFFF90] =	vst v2;
	v1 =	vadd.f32 v1, v3  }
0x1d3: {  	v4 =	vmax.f32 v4, $0.0e+00;
	v2 =	vld [tilespmem:s1+$0xFFFFFFA0]  }
0x1d4: {  	[tilespmem:s30+$0xFFFFFFC0] =	vst v4;
	v3 =	vld [tilespmem:s0+$0xFFFFFFA0];
	v5 =	vadd.f32 v7, v5;
	v1 =	vmax.f32 v1, $0.0e+00  }
0x1d5: {  	v4 =	vld [tilespmem:s11+$0xFFFFFFD0];
	[tilespmem:s30+$0x50] =	vst v1  }
0x1d6: {  	v1 =	vmax.f32 v5, $0.0e+00;
	v5 =	vld [tilespmem:s11+$0x60]  }
0x1d7: {  	[tilespmem:s31+$0x20] =	vst v1;
	v1 =	vld [tilespmem:s18+$0x60]  }
0x1d8: {  	v7 =	vld [tilespmem:s1+$0x30]  }
0x1d9: {  	v8 =	vld [tilespmem:s0+$0x30];
	v2 =	vadd.f32 v3, v2  }
0x1da: {  	s12 =	simm.s32 $0x7280;
	v6 =	vld [tilespmem:s18+$0xFFFFFFD0]  }
0x1db: {  	v3 =	vld [tilespmem:s12+$0x0];
	v2 =	vmax.f32 v2, $0.0e+00  }
0x1dc: {  	[tilespmem:s31+$0xFFFFFFA0] =	vst v2;
	v2 =	vld [tilespmem:s12+$0xFFFFFF80];
	v1 =	vadd.f32 v1, v5  }
0x1dd: {  	v5 =	vld [tilespmem:s17+$0xFFFFFF80]  }
0x1de: {  	v7 =	vadd.f32 v8, v7;
	v8 =	vld [tilespmem:s1+$0xFFFFFFB0];
	v1 =	vmax.f32 v1, $0.0e+00  }
0x1df: {  	[tilespmem:s30+$0x60] =	vst v1;
	v1 =	vld [tilespmem:s0+$0xFFFFFFB0]  }
0x1e0: {  	v3 =	vadd.f32 v9, v3;
	v7 =	vmax.f32 v7, $0.0e+00;
	v63 =	vld [tilespmem:s11+$0x70]  }
0x1e1: {  	[tilespmem:s31+$0x30] =	vst v7;
	v7 =	vld [tilespmem:s18+$0x70]  }
0x1e2: {  	s16 =	simm.s32 $0x17280;
	v3 =	vmax.f32 v3, $0.0e+00;
	v2 =	vadd.f32 v5, v2;
	v5 =	vld [tilespmem:s1+$0x40]  }
0x1e3: {  	[tilespmem:s16+$0x0] =	vst v3;
	v3 =	vld [tilespmem:s0+$0x40]  }
0x1e4: {  	v2 =	vmax.f32 v2, $0.0e+00;
	v1 =	vadd.f32 v1, v8;
	v8 =	vld [tilespmem:s12+$0x10]  }
0x1e5: {  	[tilespmem:s16+$0xFFFFFF80] =	vst v2;
	v2 =	vld [tilespmem:s17+$0x10]  }
0x1e6: {  	v4 =	vadd.f32 v6, v4;
	v6 =	vld [tilespmem:s12+$0xFFFFFF90];
	v1 =	vmax.f32 v1, $0.0e+00  }
0x1e7: {  	[tilespmem:s31+$0xFFFFFFB0] =	vst v1;
	v1 =	vld [tilespmem:s17+$0xFFFFFF90]  }
0x1e8: {  	v4 =	vmax.f32 v4, $0.0e+00;
	v3 =	vadd.f32 v3, v5;
	v5 =	vld [tilespmem:s1+$0xFFFFFFC0]  }
0x1e9: {  	[tilespmem:s30+$0xFFFFFFD0] =	vst v4;
	v4 =	vld [tilespmem:s0+$0xFFFFFFC0]  }
0x1ea: {  	v3 =	vmax.f32 v3, $0.0e+00;
	v2 =	vadd.f32 v2, v8;
	v8 =	vld [tilespmem:s11+$0xFFFFFFE0]  }
0x1eb: {  	[tilespmem:s31+$0x40] =	vst v3;
	v3 =	vld [tilespmem:s18+$0xFFFFFFE0]  }
0x1ec: {  	v2 =	vmax.f32 v2, $0.0e+00;
	v1 =	vadd.f32 v1, v6;
	v6 =	vld [tilespmem:s1+$0x50]  }
0x1ed: {  	[tilespmem:s16+$0x10] =	vst v2;
	v2 =	vld [tilespmem:s0+$0x50]  }
0x1ee: {  	v4 =	vadd.f32 v4, v5;
	v5 =	vld [tilespmem:s12+$0x20];
	v1 =	vmax.f32 v1, $0.0e+00  }
0x1ef: {  	[tilespmem:s16+$0xFFFFFF90] =	vst v1;
	v1 =	vld [tilespmem:s17+$0x20]  }
0x1f0: {  	v3 =	vadd.f32 v3, v8;
	v4 =	vmax.f32 v4, $0.0e+00;
	v8 =	vld [tilespmem:s12+$0xFFFFFFA0]  }
0x1f1: {  	[tilespmem:s31+$0xFFFFFFC0] =	vst v4;
	v4 =	vld [tilespmem:s17+$0xFFFFFFA0]  }
0x1f2: {  	v3 =	vmax.f32 v3, $0.0e+00;
	v2 =	vadd.f32 v2, v6;
	v10 =	vld [tilespmem:s1+$0xFFFFFFD0]  }
0x1f3: {  	[tilespmem:s30+$0xFFFFFFE0] =	vst v3;
	v11 =	vld [tilespmem:s0+$0xFFFFFFD0]  }
0x1f4: {  	v2 =	vmax.f32 v2, $0.0e+00;
	v3 =	vadd.f32 v1, v5;
	v1 =	vld [tilespmem:s11+$0xFFFFFFF0]  }
0x1f5: {  	v5 =	vadd.f32 v7, v63;
	[tilespmem:s31+$0x50] =	vst v2;
	v2 =	vld [tilespmem:s18+$0xFFFFFFF0]  }
0x1f6: {  	v6 =	vadd.f32 v4, v8;
	v4 =	vmax.f32 v3, $0.0e+00;
	v3 =	vld [tilespmem:s1+$0x60]  }
0x1f7: {  	v5 =	vmax.f32 v5, $0.0e+00;
	[tilespmem:s16+$0x20] =	vst v4;
	v4 =	vld [tilespmem:s0+$0x60]  }
0x1f8: {  	[tilespmem:s30+$0x70] =	vst v5;
	v7 =	vmax.f32 v6, $0.0e+00;
	v5 =	vadd.f32 v11, v10;
	v6 =	vld [tilespmem:s12+$0x30]  }
0x1f9: {  	s5 =	simm.s32 $0x7380;
	s11 =	simm.s32 $0x4;
	s18 =	simm.s32 $0xF280;
	[tilespmem:s16+$0xFFFFFFA0] =	vst v7;
	v7 =	vld [tilespmem:s17+$0x30]  }
.LBB2_9:
0x1fa: {  	v8 =	vld [tilespmem:s5+$0x0];
	s17 =	sadd.s32 $0x100, s17;
	v5 =	vmax.f32 v5, $0.0e+00;
	v1 =	vadd.f32 v2, v1  }
0x1fb: {  	v2 =	vld [tilespmem:s17+$0x0];
	[tilespmem:s31+$0xFFFFFFD0] =	vst v5  }
0x1fc: {  	v5 =	vld [tilespmem:s17+$0xFFFFFF80];
	v3 =	vadd.f32 v4, v3;
	v1 =	vmax.f32 v1, $0.0e+00  }
0x1fd: {  	v4 =	vld [tilespmem:s5+$0xFFFFFF80];
	[tilespmem:s30+$0xFFFFFFF0] =	vst v1;
	s30 =	smov.u32 s31;
	s31 =	smov.u32 s16  }
0x1fe: {  	v1 =	vld [tilespmem:s12+$0xFFFFFFB0];
	v6 =	vadd.f32 v7, v6;
	v3 =	vmax.f32 v3, $0.0e+00  }
0x1ff: {  	v7 =	vld [tilespmem:s18+$0xFFFFFFB0];
	[tilespmem:s30+$0x60] =	vst v3  }
0x200: {  	v2 =	vadd.f32 v2, v8;
	v3 =	vmax.f32 v6, $0.0e+00;
	v6 =	vld [tilespmem:s1+$0x70]  }
0x201: {  	[tilespmem:s16+$0x30] =	vst v3;
	v3 =	vld [tilespmem:s0+$0x70]  }
0x202: {  	s11 =	sadd.s32 $0x2, s11;
	s16 =	sadd.s32 $0x100, s16;
	v4 =	vadd.f32 v5, v4;
	v2 =	vmax.f32 v2, $0.0e+00;
	v5 =	vld [tilespmem:s12+$0x40]  }
0x203: {  	p0 =	slt.u32 s11, $0x7E;
	[tilespmem:s16+$0x0] =	vst v2;
	v2 =	vld [tilespmem:s18+$0x40]  }
0x204: {  	v4 =	vmax.f32 v4, $0.0e+00;
	v8 =	vld [tilespmem:s5+$0x10];
	v1 =	vadd.f32 v7, v1  }
0x205: {  	[tilespmem:s16+$0xFFFFFF80] =	vst v4;
	v4 =	vld [tilespmem:s17+$0x10]  }
0x206: {  	v7 =	vld [tilespmem:s5+$0xFFFFFF90];
	v1 =	vmax.f32 v1, $0.0e+00;
	v3 =	vadd.f32 v3, v6  }
0x207: {  	v6 =	vld [tilespmem:s17+$0xFFFFFF90];
	[tilespmem:s31+$0xFFFFFFB0] =	vst v1  }
0x208: {  	v1 =	vld [tilespmem:s12+$0xFFFFFFC0];
	v2 =	vadd.f32 v2, v5;
	v3 =	vmax.f32 v3, $0.0e+00  }
0x209: {  	v5 =	vld [tilespmem:s18+$0xFFFFFFC0];
	[tilespmem:s30+$0x70] =	vst v3  }
0x20a: {  	v3 =	vadd.f32 v4, v8;
	v2 =	vmax.f32 v2, $0.0e+00;
	v4 =	vld [tilespmem:s1+$0xFFFFFFE0]  }
0x20b: {  	[tilespmem:s31+$0x40] =	vst v2;
	v2 =	vld [tilespmem:s0+$0xFFFFFFE0]  }
0x20c: {  	v6 =	vadd.f32 v6, v7;
	v3 =	vmax.f32 v3, $0.0e+00;
	v7 =	vld [tilespmem:s12+$0x50]  }
0x20d: {  	[tilespmem:s16+$0x10] =	vst v3;
	v3 =	vld [tilespmem:s18+$0x50]  }
0x20e: {  	v6 =	vmax.f32 v6, $0.0e+00;
	v8 =	vld [tilespmem:s5+$0x20];
	v1 =	vadd.f32 v5, v1  }
0x20f: {  	[tilespmem:s16+$0xFFFFFF90] =	vst v6;
	v5 =	vld [tilespmem:s17+$0x20]  }
0x210: {  	v6 =	vld [tilespmem:s5+$0xFFFFFFA0];
	v1 =	vmax.f32 v1, $0.0e+00;
	v2 =	vadd.f32 v2, v4  }
0x211: {  	v4 =	vld [tilespmem:s17+$0xFFFFFFA0];
	[tilespmem:s31+$0xFFFFFFC0] =	vst v1  }
0x212: {  	v9 =	vld [tilespmem:s12+$0xFFFFFFD0];
	v1 =	vadd.f32 v3, v7;
	v2 =	vmax.f32 v2, $0.0e+00  }
0x213: {  	v7 =	vld [tilespmem:s18+$0xFFFFFFD0];
	[tilespmem:s30+$0xFFFFFFE0] =	vst v2  }
0x214: {  	v3 =	vadd.f32 v5, v8;
	v2 =	vmax.f32 v1, $0.0e+00;
	v1 =	vld [tilespmem:s1+$0xFFFFFFF0];
	s1 =	smov.u32 s12;
	s12 =	smov.u32 s5  }
.Ltmp8:
0x215: {  	[tilespmem:s31+$0x50] =	vst v2;
	v2 =	vld [tilespmem:s0+$0xFFFFFFF0];
	s0 =	smov.u32 s18;
	s18 =	smov.u32 s17;
	(pc) =	sbr.rel @p0 .LBB2_9-.Ltmp8, $4  }
0x216: {  	v5 =	vadd.f32 v4, v6;
	v4 =	vmax.f32 v3, $0.0e+00;
	v3 =	vld [tilespmem:s1+$0x60]  }
0x217: {  	[tilespmem:s16+$0x20] =	vst v4;
	v4 =	vld [tilespmem:s0+$0x60]  }
0x218: {  	v8 =	vmax.f32 v5, $0.0e+00;
	v6 =	vld [tilespmem:s5+$0x30];
	v5 =	vadd.f32 v7, v9  }
0x219: {  	s5 =	sadd.s32 $0x100, s5;
	[tilespmem:s16+$0xFFFFFFA0] =	vst v8;
	v7 =	vld [tilespmem:s17+$0x30]  }
0x21a: {  	v8 =	vld [tilespmem:s12+$0xFFFFFFB0]  }
0x21b: {  	v9 =	vld [tilespmem:s18+$0xFFFFFFB0];
	_ =	sdelay $0x2  }
0x21c: {  	v6 =	vadd.f32 v7, v6;
	_ =	sdelay $0x1  }
0x21d: {  	v53 =	vadd.f32 v9, v8;
	v6 =	vmax.f32 v6, $0.0e+00  }
0x21e: {  	[tilespmem:s16+$0x30] =	vst v6  }
0x21f: {  	v7 =	vmax.f32 v53, $0.0e+00;
	v6 =	vld [tilespmem:s12+$0x40]  }
0x220: {  	v54 =	vld [tilespmem:s18+$0x40];
	[tilespmem:s16+$0xFFFFFFB0] =	vst v7  }
0x221: {  	v7 =	vld [tilespmem:s12+$0xFFFFFFC0]  }
0x222: {  	v55 =	vld [tilespmem:s18+$0xFFFFFFC0];
	_ =	sdelay $0x2  }
0x223: {  	v6 =	vadd.f32 v54, v6;
	_ =	sdelay $0x1  }
0x224: {  	v7 =	vadd.f32 v55, v7;
	v6 =	vmax.f32 v6, $0.0e+00  }
0x225: {  	[tilespmem:s16+$0x40] =	vst v6  }
0x226: {  	v7 =	vmax.f32 v7, $0.0e+00;
	v6 =	vld [tilespmem:s12+$0x50]  }
0x227: {  	v56 =	vld [tilespmem:s18+$0x50];
	[tilespmem:s16+$0xFFFFFFC0] =	vst v7  }
0x228: {  	v7 =	vld [tilespmem:s12+$0xFFFFFFD0]  }
0x229: {  	v57 =	vld [tilespmem:s18+$0xFFFFFFD0];
	_ =	sdelay $0x2  }
0x22a: {  	v5 =	vmax.f32 v5, $0.0e+00;
	v6 =	vadd.f32 v56, v6  }
0x22b: {  	[tilespmem:s31+$0xFFFFFFD0] =	vst v5  }
0x22c: {  	v5 =	vld [tilespmem:s1+$0xFFFFFFE0];
	v7 =	vadd.f32 v57, v7;
	v6 =	vmax.f32 v6, $0.0e+00  }
0x22d: {  	v58 =	vld [tilespmem:s0+$0xFFFFFFE0];
	[tilespmem:s16+$0x50] =	vst v6  }
0x22e: {  	v7 =	vmax.f32 v7, $0.0e+00;
	v6 =	vld [tilespmem:s12+$0x60]  }
0x22f: {  	v59 =	vld [tilespmem:s18+$0x60];
	[tilespmem:s16+$0xFFFFFFD0] =	vst v7  }
0x230: {  	v3 =	vadd.f32 v4, v3;
	v60 =	vld [tilespmem:s12+$0xFFFFFFE0]  }
0x231: {  	v7 =	vld [tilespmem:s18+$0xFFFFFFE0]  }
0x232: {  	v3 =	vmax.f32 v3, $0.0e+00;
	v5 =	vadd.f32 v58, v5  }
0x233: {  	[tilespmem:s31+$0x60] =	vst v3  }
0x234: {  	v3 =	vld [tilespmem:s1+$0x70];
	v5 =	vmax.f32 v5, $0.0e+00;
	v6 =	vadd.f32 v59, v6  }
0x235: {  	v61 =	vld [tilespmem:s0+$0x70];
	[tilespmem:s31+$0xFFFFFFE0] =	vst v5  }
0x236: {  	v5 =	vld [tilespmem:s1+$0xFFFFFFF0];
	v4 =	vadd.f32 v7, v60;
	v6 =	vmax.f32 v6, $0.0e+00  }
0x237: {  	v62 =	vld [tilespmem:s0+$0xFFFFFFF0];
	[tilespmem:s16+$0x60] =	vst v6  }
0x238: {  	v4 =	vmax.f32 v4, $0.0e+00;
	v6 =	vld [tilespmem:s12+$0x70]  }
0x239: {  	v63 =	vld [tilespmem:s18+$0x70];
	[tilespmem:s16+$0xFFFFFFE0] =	vst v4  }
0x23a: {  	v4 =	vld [tilespmem:s12+$0xFFFFFFF0]  }
0x23b: {  	v10 =	vld [tilespmem:s18+$0xFFFFFFF0]  }
0x23c: {  	v1 =	vadd.f32 v2, v1  }
0x23d: {  	v2 =	vadd.f32 v61, v3  }
0x23e: {  	v1 =	vmax.f32 v1, $0.0e+00;
	v3 =	vadd.f32 v62, v5  }
0x23f: {  	[tilespmem:s30+$0xFFFFFFF0] =	vst v1;
	v1 =	vmax.f32 v2, $0.0e+00;
	v2 =	vadd.f32 v63, v6  }
0x240: {  	[tilespmem:s31+$0x70] =	vst v1;
	v1 =	vmax.f32 v3, $0.0e+00;
	v3 =	vadd.f32 v10, v4  }
0x241: {  	[tilespmem:s31+$0xFFFFFFF0] =	vst v1;
	v1 =	vmax.f32 v2, $0.0e+00  }
0x242: {  	s31 =	sshll.u32 s29, $0xB;
	[tilespmem:s16+$0x70] =	vst v1;
	v1 =	vmax.f32 v3, $0.0e+00  }
0x243: {  	s0 =	sadd.s32 s31, s8;
	[tilespmem:s16+$0xFFFFFFF0] =	vst v1  }
0x244: {  	[hbm4b:s0+s2] =	stream.linear.scatter [tilespmem:s24], [sflag:$0x4], $0x4000, $0x38;
	[tilespmem:$0x1B000] =	vst v63  }
.Ltmp9:
0x245: {  	p0 =	sgt.u32 s26, $0xA;
	(pc) =	sbr.rel .LBB2_11-.Ltmp9, $4  }
0x246: {  	s5 =	simm.s32 @!p0 $0x7000;
	s1 =	simm.s32 @!p0 $0x80;
	s0 =	sadd.s32 @!p0 $0x180, s28  }
0x247: {  	[tilespmem:s5], [sflag:$0x2] =	stream.indirect.gather @!p0 [hbm4b:s3+s1], $0x80, s0, s1, $0xb8;
	[tilespmem:$0x1B000] =	vst v63  }
0x248: {  	s0 =	sadd.s32 @!p0 $0x1180, s28;
	s5 =	simm.s32 @!p0 $0xF000  }
0x249: {  	[tilespmem:s5], [sflag:$0x2] =	stream.indirect.gather @!p0 [hbm4b:s4+s1], $0x80, s0, s1, $0xb8;
	[tilespmem:$0x1B000] =	vst v63  }
.LBB2_13:
0x24a: {  	_ =	sfence.sel $0x180000  }
0x24b: {  	[bflag:$0x0] =	sbarrier.arrive $0xFFFF  }
0x24c: {  	_ =	strace $0x90000047  }
0x24d: {  	s0 =	stileid.u32;
	[bflag:$0x2] =	sbarrier.arrive $0xFFFF  }
0x24e: {  	p0 =	sne.s32 s0, $0x0;
	s0 =	rddreg [dreg:$0x2]  }
0x24f: {  	s0 =	sadd.s32 @!p0 $0x100000, s0  }
0x250: {  	[sflag:s0] =	ssyncadd.tile.s32 @!p0 $0x1;
	_ =	shalt  }
.Lfunc_end2:
_tile_overlayer_lowered:
.L_overlay_start_2:
0x251: {  	(tag) =	ssettag $0x2  }
0x252: {  	s0 =	rddreg [dreg:$0x0];
	s2 =	stileid.u32  }
0x253: {  	s1 =	rddreg [dreg:$0x1];
	p0 =	sne.s32 s2, $0x0  }
0x254: {  	s3 =	rddreg [dreg:$0x2];
	[bflag:$0x3] =	sbarrier.arrive $0xFFFF;
	s2 =	simm.s32 @!p0 $0x1C05  }
0x255: {  	[timem:s3], [sflag:s2] =	dma.local @!p0 [hbm:s0], s1  }
0x256: {  	s0 =	simm.s32 @!p0 $0x5  }
0x257: {  	_ =	swait.ge @!p0 [sflag:s0], s1  }
0x258: {  	s1 =	ssub.s32 @!p0 $0x0, s1;
	[sflag:s0] =	ssyncset.done @!p0 $0x0  }
0x259: {  	[sflag:s0] =	ssyncadd.s32 @!p0 s1  }
0x25a: {  	[bflag:$0x3] =	sbarrier.arrive $0xFFFF  }
0x25b: {  	_ =	shalt  }

</sc_bundles>
